<compile_context>
chip_gen: v7x
topology: tpu7x:2x2x1
jax: 0.10.2.dev20260603
libtpu: 0.0.44.dev20260713+nightly
codegen_flags: <defaults>
</compile_context>

<pallas_src>
import functools

import jax
import jax.experimental.layout
import jax.numpy as jnp
from jax import lax
from jax.experimental import pallas as pl
from jax.experimental.pallas import tpu as pltpu
from jax.experimental.pallas import tpu_sc as plsc

_NUM_CORES = 2
_NUM_SUBCORES = 16
_NW = _NUM_CORES * _NUM_SUBCORES
_NB = 4
_NBUF = 4


@functools.lru_cache(maxsize=None)
def _build(batch, seq, D):
    b_per_w = batch // _NW
    n_groups = b_per_w // _NB
    n_outer = n_groups // _NBUF
    mesh = plsc.VectorSubcoreMesh(
        core_axis_name="c", subcore_axis_name="s",
        num_cores=_NUM_CORES, num_subcores=_NUM_SUBCORES)

    @functools.partial(
        pl.kernel,
        out_type=jax.ShapeDtypeStruct((batch, seq, D), jnp.float32),
        mesh=mesh,
        scratch_types=[
            pltpu.VMEM((b_per_w, seq), jnp.int32),
            pltpu.VMEM((_NBUF, _NB, seq, D), jnp.float32),
        ] + [pltpu.SemaphoreType.DMA] * (2 * _NBUF),
        compiler_params=pltpu.CompilerParams(use_tc_tiling_on_sc=False),
    )
    def gather_kernel(idx_hbm, table_hbm, out_hbm, idx_v, rows_v, *sems):
        gsems, osems = sems[:_NBUF], sems[_NBUF:]
        wid = lax.axis_index("s") * _NUM_CORES + lax.axis_index("c")
        b0 = wid * b_per_w
        pltpu.sync_copy(idx_hbm.at[pl.ds(b0, b_per_w)], idx_v)

        def g_copy(g, k, buf):
            return pltpu.make_async_copy(
                table_hbm.at[idx_v.at[g * _NB + k]], rows_v.at[buf, k],
                gsems[buf])

        def o_copy(g, buf):
            return pltpu.make_async_copy(
                rows_v.at[buf], out_hbm.at[pl.ds(b0 + g * _NB, _NB)],
                osems[buf])

        for buf in range(_NBUF):
            for k in range(_NB):
                g_copy(buf, k, buf).start()

        def body(go, carry):
            for buf in range(_NBUF):
                g = go * _NBUF + buf
                for k in range(_NB):
                    g_copy(g, k, buf).wait()
                o_copy(g, buf).start()
            for buf in range(_NBUF):
                g = go * _NBUF + buf
                o_copy(g, buf).wait()
                for k in range(_NB):
                    g_copy(g + _NBUF, k, buf).start()
            return carry

        lax.fori_loop(0, n_outer - 1, body, 0)

        go = n_outer - 1
        for buf in range(_NBUF):
            g = go * _NBUF + buf
            for k in range(_NB):
                g_copy(g, k, buf).wait()
            o_copy(g, buf).start()
        for buf in range(_NBUF):
            o_copy(go * _NBUF + buf, buf).wait()

    return gather_kernel


def kernel(x, weight):
    batch, seq = x.shape
    D = weight.shape[1]
    wt = jax.experimental.layout.with_layout_constraint(
        weight,
        jax.experimental.layout.Layout(
            major_to_minor=(0, 1), tiling=((8, 128),)))
    return _build(batch, seq, D)(x + x, wt)

# --- scband reference (transcript-rebuilt; emitter-appended) ---
"""Pipeline reference for scband-embedding-39625368273069 (READ-ONLY COPY).

The authoritative reference and input builder live on the scoring server;
editing this copy changes nothing except your own understanding.
"""

import jax, jax.numpy as jnp
import numpy as np

NUM_EMBEDDINGS = 1000000
EMBEDDING_DIM = 64

def setup_inputs(seed: int = 0) -> dict:
    key = jax.random.key(seed)
    k_idx, k_w = jax.random.split(key)
    x = jax.random.randint(k_idx, (16384, 50), 0, NUM_EMBEDDINGS, dtype=jnp.int64 if jax.config.jax_enable_x64 else jnp.int32)
    weight = jax.random.normal(k_w, (NUM_EMBEDDINGS, EMBEDDING_DIM), dtype=jnp.float32) * (EMBEDDING_DIM ** -0.5)
    return {"x": x, "weight": weight}

def reference(x, weight):
    # F.embedding(x, weight): gather rows of weight by indices in x
    return jnp.take(weight, x, axis=0)

if __name__ == "__main__":
    import jax
    _d = setup_inputs()
    print(jax.jit(kernel)(*tuple(_d.values())))

</pallas_src>

<mosaic_0001>
#map = affine_map<(d0, d1) -> (0, 0)>
#map1 = affine_map<(d0, d1) -> (0, 0, 0)>
module attributes {stable_mosaic.version = 14 : i64} {
  func.func @gather_kernel(%arg0: i32, %arg1: i32, %arg2: memref<16384x50xi32, #tpu.memory_space<hbm>>, %arg3: memref<1000000x64xf32, #tpu.memory_space<hbm>>, %arg4: memref<16384x50x64xf32, #tpu.memory_space<hbm>>, %arg5: memref<512x50xi32, #tpu.memory_space<vmem>>, %arg6: memref<4x4x50x64xf32, #tpu.memory_space<vmem>>, %arg7: memref<!tpu.dma_semaphore, #tpu.memory_space<semaphore_mem>>, %arg8: memref<!tpu.dma_semaphore, #tpu.memory_space<semaphore_mem>>, %arg9: memref<!tpu.dma_semaphore, #tpu.memory_space<semaphore_mem>>, %arg10: memref<!tpu.dma_semaphore, #tpu.memory_space<semaphore_mem>>, %arg11: memref<!tpu.dma_semaphore, #tpu.memory_space<semaphore_mem>>, %arg12: memref<!tpu.dma_semaphore, #tpu.memory_space<semaphore_mem>>, %arg13: memref<!tpu.dma_semaphore, #tpu.memory_space<semaphore_mem>>, %arg14: memref<!tpu.dma_semaphore, #tpu.memory_space<semaphore_mem>>) attributes {dimension_semantics = [#tpu.dimension_semantics<core_parallel>, #tpu.dimension_semantics<subcore_parallel>], iteration_bounds = array<i64: 2, 16>, scalar_prefetch = 0 : i64, scratch_operands = 10 : i64, tpu.core_type = #tpu.core_type<sc_vector_subcore>, window_params = [{transform_indices = #map}, {transform_indices = #map}, {transform_indices = #map1}]} {
    %mul3A = arith.constant 2 : i32
    %mul3A_0 = arith.muli %arg1, %mul3A : i32
    %add3A = arith.addi %mul3A_0, %arg0 : i32
    %mul3A_1 = arith.constant 512 : i32
    %mul3A_2 = arith.muli %add3A, %mul3A_1 : i32
    "tpu.region"() ({
      %run_scoped3A = tpu.sem_alloc : memref<!tpu.dma_semaphore, #tpu.memory_space<semaphore_mem>>
      %dma_start3A_574 = arith.constant 0 : i32
      %dma_start3A_575 = tpu.memref_slice %arg2[%mul3A_2, %dma_start3A_574] : memref<16384x50xi32, #tpu.memory_space<hbm>> -> memref<512x50xi32, #tpu.memory_space<hbm>>
      %dma_start3A_576 = arith.constant 0 : i32
      %dma_start3A_577 = tpu.memref_slice %arg2[%mul3A_2, %dma_start3A_576] : memref<16384x50xi32, #tpu.memory_space<hbm>> -> memref<512x50xi32, #tpu.memory_space<hbm>>
      tpu.enqueue_dma source(%dma_start3A_577 : memref<512x50xi32, #tpu.memory_space<hbm>>) target(%arg5 : memref<512x50xi32, #tpu.memory_space<vmem>>) target_semaphore(%run_scoped3A : memref<!tpu.dma_semaphore, #tpu.memory_space<semaphore_mem>>)
      %dma_wait3A_578 = arith.constant 0 : i32
      %dma_wait3A_579 = tpu.memref_slice %arg2[%mul3A_2, %dma_wait3A_578] : memref<16384x50xi32, #tpu.memory_space<hbm>> -> memref<512x50xi32, #tpu.memory_space<hbm>>
      %dma_wait3A_580 = arith.constant 0 : i32
      %dma_wait3A_581 = tpu.memref_slice %arg2[%mul3A_2, %dma_wait3A_580] : memref<16384x50xi32, #tpu.memory_space<hbm>> -> memref<512x50xi32, #tpu.memory_space<hbm>>
      tpu.wait_dma2 semaphore(%run_scoped3A : memref<!tpu.dma_semaphore, #tpu.memory_space<semaphore_mem>>) src(%dma_wait3A_581 : memref<512x50xi32, #tpu.memory_space<hbm>>) dst(%arg5 : memref<512x50xi32, #tpu.memory_space<vmem>>)
      tpu.yield
    }) : () -> ()
    %dma_start3A = arith.constant 0 : i32
    %dma_start3A_3 = arith.constant 0 : i32
    %dma_start3A_4 = arith.constant 0 : i32
    %dma_start3A_5 = arith.constant 0 : i32
    %dma_start3A_6 = arith.constant 0 : i32
    %dma_start3A_7 = tpu.memref_slice %arg6[%dma_start3A_3, %dma_start3A_4, %dma_start3A_5, %dma_start3A_6] : memref<4x4x50x64xf32, #tpu.memory_space<vmem>> -> memref<1x1x50x64xf32, #tpu.memory_space<vmem>>
    %dma_start3A_8 = tpu.memref_squeeze %dma_start3A_7 : memref<1x1x50x64xf32, #tpu.memory_space<vmem>> -> memref<50x64xf32, #tpu.memory_space<vmem>>
    %dma_start3A_9 = arith.constant 0 : i32
    %dma_start3A_10 = tpu.memref_slice %arg5[%dma_start3A, %dma_start3A_9] : memref<512x50xi32, #tpu.memory_space<vmem>> -> memref<1x50xi32, #tpu.memory_space<vmem>>
    %dma_start3A_11 = tpu.memref_squeeze %dma_start3A_10 : memref<1x50xi32, #tpu.memory_space<vmem>> -> memref<50xi32, #tpu.memory_space<vmem>>
    %dma_start3A_12 = arith.constant 0 : i32
    %dma_start3A_13 = arith.constant 0 : i32
    %dma_start3A_14 = tpu.memref_slice %arg3[%dma_start3A_12, %dma_start3A_13] : memref<1000000x64xf32, #tpu.memory_space<hbm>> -> memref<1000000x64xf32, #tpu.memory_space<hbm>>
    tpu.enqueue_indirect_dma source(%dma_start3A_14 : memref<1000000x64xf32, #tpu.memory_space<hbm>>) target(%dma_start3A_8 : memref<50x64xf32, #tpu.memory_space<vmem>>) offsets(%dma_start3A_11 : memref<50xi32, #tpu.memory_space<vmem>>) semaphore(%arg7 : memref<!tpu.dma_semaphore, #tpu.memory_space<semaphore_mem>>)
    %dma_start3A_15 = arith.constant 1 : i32
    %dma_start3A_16 = arith.constant 0 : i32
    %dma_start3A_17 = arith.constant 1 : i32
    %dma_start3A_18 = arith.constant 0 : i32
    %dma_start3A_19 = arith.constant 0 : i32
    %dma_start3A_20 = tpu.memref_slice %arg6[%dma_start3A_16, %dma_start3A_17, %dma_start3A_18, %dma_start3A_19] : memref<4x4x50x64xf32, #tpu.memory_space<vmem>> -> memref<1x1x50x64xf32, #tpu.memory_space<vmem>>
    %dma_start3A_21 = tpu.memref_squeeze %dma_start3A_20 : memref<1x1x50x64xf32, #tpu.memory_space<vmem>> -> memref<50x64xf32, #tpu.memory_space<vmem>>
    %dma_start3A_22 = arith.constant 0 : i32
    %dma_start3A_23 = tpu.memref_slice %arg5[%dma_start3A_15, %dma_start3A_22] : memref<512x50xi32, #tpu.memory_space<vmem>> -> memref<1x50xi32, #tpu.memory_space<vmem>>
    %dma_start3A_24 = tpu.memref_squeeze %dma_start3A_23 : memref<1x50xi32, #tpu.memory_space<vmem>> -> memref<50xi32, #tpu.memory_space<vmem>>
    %dma_start3A_25 = arith.constant 0 : i32
    %dma_start3A_26 = arith.constant 0 : i32
    %dma_start3A_27 = tpu.memref_slice %arg3[%dma_start3A_25, %dma_start3A_26] : memref<1000000x64xf32, #tpu.memory_space<hbm>> -> memref<1000000x64xf32, #tpu.memory_space<hbm>>
    tpu.enqueue_indirect_dma source(%dma_start3A_27 : memref<1000000x64xf32, #tpu.memory_space<hbm>>) target(%dma_start3A_21 : memref<50x64xf32, #tpu.memory_space<vmem>>) offsets(%dma_start3A_24 : memref<50xi32, #tpu.memory_space<vmem>>) semaphore(%arg7 : memref<!tpu.dma_semaphore, #tpu.memory_space<semaphore_mem>>)
    %dma_start3A_28 = arith.constant 2 : i32
    %dma_start3A_29 = arith.constant 0 : i32
    %dma_start3A_30 = arith.constant 2 : i32
    %dma_start3A_31 = arith.constant 0 : i32
    %dma_start3A_32 = arith.constant 0 : i32
    %dma_start3A_33 = tpu.memref_slice %arg6[%dma_start3A_29, %dma_start3A_30, %dma_start3A_31, %dma_start3A_32] : memref<4x4x50x64xf32, #tpu.memory_space<vmem>> -> memref<1x1x50x64xf32, #tpu.memory_space<vmem>>
    %dma_start3A_34 = tpu.memref_squeeze %dma_start3A_33 : memref<1x1x50x64xf32, #tpu.memory_space<vmem>> -> memref<50x64xf32, #tpu.memory_space<vmem>>
    %dma_start3A_35 = arith.constant 0 : i32
    %dma_start3A_36 = tpu.memref_slice %arg5[%dma_start3A_28, %dma_start3A_35] : memref<512x50xi32, #tpu.memory_space<vmem>> -> memref<1x50xi32, #tpu.memory_space<vmem>>
    %dma_start3A_37 = tpu.memref_squeeze %dma_start3A_36 : memref<1x50xi32, #tpu.memory_space<vmem>> -> memref<50xi32, #tpu.memory_space<vmem>>
    %dma_start3A_38 = arith.constant 0 : i32
    %dma_start3A_39 = arith.constant 0 : i32
    %dma_start3A_40 = tpu.memref_slice %arg3[%dma_start3A_38, %dma_start3A_39] : memref<1000000x64xf32, #tpu.memory_space<hbm>> -> memref<1000000x64xf32, #tpu.memory_space<hbm>>
    tpu.enqueue_indirect_dma source(%dma_start3A_40 : memref<1000000x64xf32, #tpu.memory_space<hbm>>) target(%dma_start3A_34 : memref<50x64xf32, #tpu.memory_space<vmem>>) offsets(%dma_start3A_37 : memref<50xi32, #tpu.memory_space<vmem>>) semaphore(%arg7 : memref<!tpu.dma_semaphore, #tpu.memory_space<semaphore_mem>>)
    %dma_start3A_41 = arith.constant 3 : i32
    %dma_start3A_42 = arith.constant 0 : i32
    %dma_start3A_43 = arith.constant 3 : i32
    %dma_start3A_44 = arith.constant 0 : i32
    %dma_start3A_45 = arith.constant 0 : i32
    %dma_start3A_46 = tpu.memref_slice %arg6[%dma_start3A_42, %dma_start3A_43, %dma_start3A_44, %dma_start3A_45] : memref<4x4x50x64xf32, #tpu.memory_space<vmem>> -> memref<1x1x50x64xf32, #tpu.memory_space<vmem>>
    %dma_start3A_47 = tpu.memref_squeeze %dma_start3A_46 : memref<1x1x50x64xf32, #tpu.memory_space<vmem>> -> memref<50x64xf32, #tpu.memory_space<vmem>>
    %dma_start3A_48 = arith.constant 0 : i32
    %dma_start3A_49 = tpu.memref_slice %arg5[%dma_start3A_41, %dma_start3A_48] : memref<512x50xi32, #tpu.memory_space<vmem>> -> memref<1x50xi32, #tpu.memory_space<vmem>>
    %dma_start3A_50 = tpu.memref_squeeze %dma_start3A_49 : memref<1x50xi32, #tpu.memory_space<vmem>> -> memref<50xi32, #tpu.memory_space<vmem>>
    %dma_start3A_51 = arith.constant 0 : i32
    %dma_start3A_52 = arith.constant 0 : i32
    %dma_start3A_53 = tpu.memref_slice %arg3[%dma_start3A_51, %dma_start3A_52] : memref<1000000x64xf32, #tpu.memory_space<hbm>> -> memref<1000000x64xf32, #tpu.memory_space<hbm>>
    tpu.enqueue_indirect_dma source(%dma_start3A_53 : memref<1000000x64xf32, #tpu.memory_space<hbm>>) target(%dma_start3A_47 : memref<50x64xf32, #tpu.memory_space<vmem>>) offsets(%dma_start3A_50 : memref<50xi32, #tpu.memory_space<vmem>>) semaphore(%arg7 : memref<!tpu.dma_semaphore, #tpu.memory_space<semaphore_mem>>)
    %dma_start3A_54 = arith.constant 4 : i32
    %dma_start3A_55 = arith.constant 1 : i32
    %dma_start3A_56 = arith.constant 0 : i32
    %dma_start3A_57 = arith.constant 0 : i32
    %dma_start3A_58 = arith.constant 0 : i32
    %dma_start3A_59 = tpu.memref_slice %arg6[%dma_start3A_55, %dma_start3A_56, %dma_start3A_57, %dma_start3A_58] : memref<4x4x50x64xf32, #tpu.memory_space<vmem>> -> memref<1x1x50x64xf32, #tpu.memory_space<vmem>>
    %dma_start3A_60 = tpu.memref_squeeze %dma_start3A_59 : memref<1x1x50x64xf32, #tpu.memory_space<vmem>> -> memref<50x64xf32, #tpu.memory_space<vmem>>
    %dma_start3A_61 = arith.constant 0 : i32
    %dma_start3A_62 = tpu.memref_slice %arg5[%dma_start3A_54, %dma_start3A_61] : memref<512x50xi32, #tpu.memory_space<vmem>> -> memref<1x50xi32, #tpu.memory_space<vmem>>
    %dma_start3A_63 = tpu.memref_squeeze %dma_start3A_62 : memref<1x50xi32, #tpu.memory_space<vmem>> -> memref<50xi32, #tpu.memory_space<vmem>>
    %dma_start3A_64 = arith.constant 0 : i32
    %dma_start3A_65 = arith.constant 0 : i32
    %dma_start3A_66 = tpu.memref_slice %arg3[%dma_start3A_64, %dma_start3A_65] : memref<1000000x64xf32, #tpu.memory_space<hbm>> -> memref<1000000x64xf32, #tpu.memory_space<hbm>>
    tpu.enqueue_indirect_dma source(%dma_start3A_66 : memref<1000000x64xf32, #tpu.memory_space<hbm>>) target(%dma_start3A_60 : memref<50x64xf32, #tpu.memory_space<vmem>>) offsets(%dma_start3A_63 : memref<50xi32, #tpu.memory_space<vmem>>) semaphore(%arg8 : memref<!tpu.dma_semaphore, #tpu.memory_space<semaphore_mem>>)
    %dma_start3A_67 = arith.constant 5 : i32
    %dma_start3A_68 = arith.constant 1 : i32
    %dma_start3A_69 = arith.constant 1 : i32
    %dma_start3A_70 = arith.constant 0 : i32
    %dma_start3A_71 = arith.constant 0 : i32
    %dma_start3A_72 = tpu.memref_slice %arg6[%dma_start3A_68, %dma_start3A_69, %dma_start3A_70, %dma_start3A_71] : memref<4x4x50x64xf32, #tpu.memory_space<vmem>> -> memref<1x1x50x64xf32, #tpu.memory_space<vmem>>
    %dma_start3A_73 = tpu.memref_squeeze %dma_start3A_72 : memref<1x1x50x64xf32, #tpu.memory_space<vmem>> -> memref<50x64xf32, #tpu.memory_space<vmem>>
    %dma_start3A_74 = arith.constant 0 : i32
    %dma_start3A_75 = tpu.memref_slice %arg5[%dma_start3A_67, %dma_start3A_74] : memref<512x50xi32, #tpu.memory_space<vmem>> -> memref<1x50xi32, #tpu.memory_space<vmem>>
    %dma_start3A_76 = tpu.memref_squeeze %dma_start3A_75 : memref<1x50xi32, #tpu.memory_space<vmem>> -> memref<50xi32, #tpu.memory_space<vmem>>
    %dma_start3A_77 = arith.constant 0 : i32
    %dma_start3A_78 = arith.constant 0 : i32
    %dma_start3A_79 = tpu.memref_slice %arg3[%dma_start3A_77, %dma_start3A_78] : memref<1000000x64xf32, #tpu.memory_space<hbm>> -> memref<1000000x64xf32, #tpu.memory_space<hbm>>
    tpu.enqueue_indirect_dma source(%dma_start3A_79 : memref<1000000x64xf32, #tpu.memory_space<hbm>>) target(%dma_start3A_73 : memref<50x64xf32, #tpu.memory_space<vmem>>) offsets(%dma_start3A_76 : memref<50xi32, #tpu.memory_space<vmem>>) semaphore(%arg8 : memref<!tpu.dma_semaphore, #tpu.memory_space<semaphore_mem>>)
    %dma_start3A_80 = arith.constant 6 : i32
    %dma_start3A_81 = arith.constant 1 : i32
    %dma_start3A_82 = arith.constant 2 : i32
    %dma_start3A_83 = arith.constant 0 : i32
    %dma_start3A_84 = arith.constant 0 : i32
    %dma_start3A_85 = tpu.memref_slice %arg6[%dma_start3A_81, %dma_start3A_82, %dma_start3A_83, %dma_start3A_84] : memref<4x4x50x64xf32, #tpu.memory_space<vmem>> -> memref<1x1x50x64xf32, #tpu.memory_space<vmem>>
    %dma_start3A_86 = tpu.memref_squeeze %dma_start3A_85 : memref<1x1x50x64xf32, #tpu.memory_space<vmem>> -> memref<50x64xf32, #tpu.memory_space<vmem>>
    %dma_start3A_87 = arith.constant 0 : i32
    %dma_start3A_88 = tpu.memref_slice %arg5[%dma_start3A_80, %dma_start3A_87] : memref<512x50xi32, #tpu.memory_space<vmem>> -> memref<1x50xi32, #tpu.memory_space<vmem>>
    %dma_start3A_89 = tpu.memref_squeeze %dma_start3A_88 : memref<1x50xi32, #tpu.memory_space<vmem>> -> memref<50xi32, #tpu.memory_space<vmem>>
    %dma_start3A_90 = arith.constant 0 : i32
    %dma_start3A_91 = arith.constant 0 : i32
    %dma_start3A_92 = tpu.memref_slice %arg3[%dma_start3A_90, %dma_start3A_91] : memref<1000000x64xf32, #tpu.memory_space<hbm>> -> memref<1000000x64xf32, #tpu.memory_space<hbm>>
    tpu.enqueue_indirect_dma source(%dma_start3A_92 : memref<1000000x64xf32, #tpu.memory_space<hbm>>) target(%dma_start3A_86 : memref<50x64xf32, #tpu.memory_space<vmem>>) offsets(%dma_start3A_89 : memref<50xi32, #tpu.memory_space<vmem>>) semaphore(%arg8 : memref<!tpu.dma_semaphore, #tpu.memory_space<semaphore_mem>>)
    %dma_start3A_93 = arith.constant 7 : i32
    %dma_start3A_94 = arith.constant 1 : i32
    %dma_start3A_95 = arith.constant 3 : i32
    %dma_start3A_96 = arith.constant 0 : i32
    %dma_start3A_97 = arith.constant 0 : i32
    %dma_start3A_98 = tpu.memref_slice %arg6[%dma_start3A_94, %dma_start3A_95, %dma_start3A_96, %dma_start3A_97] : memref<4x4x50x64xf32, #tpu.memory_space<vmem>> -> memref<1x1x50x64xf32, #tpu.memory_space<vmem>>
    %dma_start3A_99 = tpu.memref_squeeze %dma_start3A_98 : memref<1x1x50x64xf32, #tpu.memory_space<vmem>> -> memref<50x64xf32, #tpu.memory_space<vmem>>
    %dma_start3A_100 = arith.constant 0 : i32
    %dma_start3A_101 = tpu.memref_slice %arg5[%dma_start3A_93, %dma_start3A_100] : memref<512x50xi32, #tpu.memory_space<vmem>> -> memref<1x50xi32, #tpu.memory_space<vmem>>
    %dma_start3A_102 = tpu.memref_squeeze %dma_start3A_101 : memref<1x50xi32, #tpu.memory_space<vmem>> -> memref<50xi32, #tpu.memory_space<vmem>>
    %dma_start3A_103 = arith.constant 0 : i32
    %dma_start3A_104 = arith.constant 0 : i32
    %dma_start3A_105 = tpu.memref_slice %arg3[%dma_start3A_103, %dma_start3A_104] : memref<1000000x64xf32, #tpu.memory_space<hbm>> -> memref<1000000x64xf32, #tpu.memory_space<hbm>>
    tpu.enqueue_indirect_dma source(%dma_start3A_105 : memref<1000000x64xf32, #tpu.memory_space<hbm>>) target(%dma_start3A_99 : memref<50x64xf32, #tpu.memory_space<vmem>>) offsets(%dma_start3A_102 : memref<50xi32, #tpu.memory_space<vmem>>) semaphore(%arg8 : memref<!tpu.dma_semaphore, #tpu.memory_space<semaphore_mem>>)
    %dma_start3A_106 = arith.constant 8 : i32
    %dma_start3A_107 = arith.constant 2 : i32
    %dma_start3A_108 = arith.constant 0 : i32
    %dma_start3A_109 = arith.constant 0 : i32
    %dma_start3A_110 = arith.constant 0 : i32
    %dma_start3A_111 = tpu.memref_slice %arg6[%dma_start3A_107, %dma_start3A_108, %dma_start3A_109, %dma_start3A_110] : memref<4x4x50x64xf32, #tpu.memory_space<vmem>> -> memref<1x1x50x64xf32, #tpu.memory_space<vmem>>
    %dma_start3A_112 = tpu.memref_squeeze %dma_start3A_111 : memref<1x1x50x64xf32, #tpu.memory_space<vmem>> -> memref<50x64xf32, #tpu.memory_space<vmem>>
    %dma_start3A_113 = arith.constant 0 : i32
    %dma_start3A_114 = tpu.memref_slice %arg5[%dma_start3A_106, %dma_start3A_113] : memref<512x50xi32, #tpu.memory_space<vmem>> -> memref<1x50xi32, #tpu.memory_space<vmem>>
    %dma_start3A_115 = tpu.memref_squeeze %dma_start3A_114 : memref<1x50xi32, #tpu.memory_space<vmem>> -> memref<50xi32, #tpu.memory_space<vmem>>
    %dma_start3A_116 = arith.constant 0 : i32
    %dma_start3A_117 = arith.constant 0 : i32
    %dma_start3A_118 = tpu.memref_slice %arg3[%dma_start3A_116, %dma_start3A_117] : memref<1000000x64xf32, #tpu.memory_space<hbm>> -> memref<1000000x64xf32, #tpu.memory_space<hbm>>
    tpu.enqueue_indirect_dma source(%dma_start3A_118 : memref<1000000x64xf32, #tpu.memory_space<hbm>>) target(%dma_start3A_112 : memref<50x64xf32, #tpu.memory_space<vmem>>) offsets(%dma_start3A_115 : memref<50xi32, #tpu.memory_space<vmem>>) semaphore(%arg9 : memref<!tpu.dma_semaphore, #tpu.memory_space<semaphore_mem>>)
    %dma_start3A_119 = arith.constant 9 : i32
    %dma_start3A_120 = arith.constant 2 : i32
    %dma_start3A_121 = arith.constant 1 : i32
    %dma_start3A_122 = arith.constant 0 : i32
    %dma_start3A_123 = arith.constant 0 : i32
    %dma_start3A_124 = tpu.memref_slice %arg6[%dma_start3A_120, %dma_start3A_121, %dma_start3A_122, %dma_start3A_123] : memref<4x4x50x64xf32, #tpu.memory_space<vmem>> -> memref<1x1x50x64xf32, #tpu.memory_space<vmem>>
    %dma_start3A_125 = tpu.memref_squeeze %dma_start3A_124 : memref<1x1x50x64xf32, #tpu.memory_space<vmem>> -> memref<50x64xf32, #tpu.memory_space<vmem>>
    %dma_start3A_126 = arith.constant 0 : i32
    %dma_start3A_127 = tpu.memref_slice %arg5[%dma_start3A_119, %dma_start3A_126] : memref<512x50xi32, #tpu.memory_space<vmem>> -> memref<1x50xi32, #tpu.memory_space<vmem>>
    %dma_start3A_128 = tpu.memref_squeeze %dma_start3A_127 : memref<1x50xi32, #tpu.memory_space<vmem>> -> memref<50xi32, #tpu.memory_space<vmem>>
    %dma_start3A_129 = arith.constant 0 : i32
    %dma_start3A_130 = arith.constant 0 : i32
    %dma_start3A_131 = tpu.memref_slice %arg3[%dma_start3A_129, %dma_start3A_130] : memref<1000000x64xf32, #tpu.memory_space<hbm>> -> memref<1000000x64xf32, #tpu.memory_space<hbm>>
    tpu.enqueue_indirect_dma source(%dma_start3A_131 : memref<1000000x64xf32, #tpu.memory_space<hbm>>) target(%dma_start3A_125 : memref<50x64xf32, #tpu.memory_space<vmem>>) offsets(%dma_start3A_128 : memref<50xi32, #tpu.memory_space<vmem>>) semaphore(%arg9 : memref<!tpu.dma_semaphore, #tpu.memory_space<semaphore_mem>>)
    %dma_start3A_132 = arith.constant 10 : i32
    %dma_start3A_133 = arith.constant 2 : i32
    %dma_start3A_134 = arith.constant 2 : i32
    %dma_start3A_135 = arith.constant 0 : i32
    %dma_start3A_136 = arith.constant 0 : i32
    %dma_start3A_137 = tpu.memref_slice %arg6[%dma_start3A_133, %dma_start3A_134, %dma_start3A_135, %dma_start3A_136] : memref<4x4x50x64xf32, #tpu.memory_space<vmem>> -> memref<1x1x50x64xf32, #tpu.memory_space<vmem>>
    %dma_start3A_138 = tpu.memref_squeeze %dma_start3A_137 : memref<1x1x50x64xf32, #tpu.memory_space<vmem>> -> memref<50x64xf32, #tpu.memory_space<vmem>>
    %dma_start3A_139 = arith.constant 0 : i32
    %dma_start3A_140 = tpu.memref_slice %arg5[%dma_start3A_132, %dma_start3A_139] : memref<512x50xi32, #tpu.memory_space<vmem>> -> memref<1x50xi32, #tpu.memory_space<vmem>>
    %dma_start3A_141 = tpu.memref_squeeze %dma_start3A_140 : memref<1x50xi32, #tpu.memory_space<vmem>> -> memref<50xi32, #tpu.memory_space<vmem>>
    %dma_start3A_142 = arith.constant 0 : i32
    %dma_start3A_143 = arith.constant 0 : i32
    %dma_start3A_144 = tpu.memref_slice %arg3[%dma_start3A_142, %dma_start3A_143] : memref<1000000x64xf32, #tpu.memory_space<hbm>> -> memref<1000000x64xf32, #tpu.memory_space<hbm>>
    tpu.enqueue_indirect_dma source(%dma_start3A_144 : memref<1000000x64xf32, #tpu.memory_space<hbm>>) target(%dma_start3A_138 : memref<50x64xf32, #tpu.memory_space<vmem>>) offsets(%dma_start3A_141 : memref<50xi32, #tpu.memory_space<vmem>>) semaphore(%arg9 : memref<!tpu.dma_semaphore, #tpu.memory_space<semaphore_mem>>)
    %dma_start3A_145 = arith.constant 11 : i32
    %dma_start3A_146 = arith.constant 2 : i32
    %dma_start3A_147 = arith.constant 3 : i32
    %dma_start3A_148 = arith.constant 0 : i32
    %dma_start3A_149 = arith.constant 0 : i32
    %dma_start3A_150 = tpu.memref_slice %arg6[%dma_start3A_146, %dma_start3A_147, %dma_start3A_148, %dma_start3A_149] : memref<4x4x50x64xf32, #tpu.memory_space<vmem>> -> memref<1x1x50x64xf32, #tpu.memory_space<vmem>>
    %dma_start3A_151 = tpu.memref_squeeze %dma_start3A_150 : memref<1x1x50x64xf32, #tpu.memory_space<vmem>> -> memref<50x64xf32, #tpu.memory_space<vmem>>
    %dma_start3A_152 = arith.constant 0 : i32
    %dma_start3A_153 = tpu.memref_slice %arg5[%dma_start3A_145, %dma_start3A_152] : memref<512x50xi32, #tpu.memory_space<vmem>> -> memref<1x50xi32, #tpu.memory_space<vmem>>
    %dma_start3A_154 = tpu.memref_squeeze %dma_start3A_153 : memref<1x50xi32, #tpu.memory_space<vmem>> -> memref<50xi32, #tpu.memory_space<vmem>>
    %dma_start3A_155 = arith.constant 0 : i32
    %dma_start3A_156 = arith.constant 0 : i32
    %dma_start3A_157 = tpu.memref_slice %arg3[%dma_start3A_155, %dma_start3A_156] : memref<1000000x64xf32, #tpu.memory_space<hbm>> -> memref<1000000x64xf32, #tpu.memory_space<hbm>>
    tpu.enqueue_indirect_dma source(%dma_start3A_157 : memref<1000000x64xf32, #tpu.memory_space<hbm>>) target(%dma_start3A_151 : memref<50x64xf32, #tpu.memory_space<vmem>>) offsets(%dma_start3A_154 : memref<50xi32, #tpu.memory_space<vmem>>) semaphore(%arg9 : memref<!tpu.dma_semaphore, #tpu.memory_space<semaphore_mem>>)
    %dma_start3A_158 = arith.constant 12 : i32
    %dma_start3A_159 = arith.constant 3 : i32
    %dma_start3A_160 = arith.constant 0 : i32
    %dma_start3A_161 = arith.constant 0 : i32
    %dma_start3A_162 = arith.constant 0 : i32
    %dma_start3A_163 = tpu.memref_slice %arg6[%dma_start3A_159, %dma_start3A_160, %dma_start3A_161, %dma_start3A_162] : memref<4x4x50x64xf32, #tpu.memory_space<vmem>> -> memref<1x1x50x64xf32, #tpu.memory_space<vmem>>
    %dma_start3A_164 = tpu.memref_squeeze %dma_start3A_163 : memref<1x1x50x64xf32, #tpu.memory_space<vmem>> -> memref<50x64xf32, #tpu.memory_space<vmem>>
    %dma_start3A_165 = arith.constant 0 : i32
    %dma_start3A_166 = tpu.memref_slice %arg5[%dma_start3A_158, %dma_start3A_165] : memref<512x50xi32, #tpu.memory_space<vmem>> -> memref<1x50xi32, #tpu.memory_space<vmem>>
    %dma_start3A_167 = tpu.memref_squeeze %dma_start3A_166 : memref<1x50xi32, #tpu.memory_space<vmem>> -> memref<50xi32, #tpu.memory_space<vmem>>
    %dma_start3A_168 = arith.constant 0 : i32
    %dma_start3A_169 = arith.constant 0 : i32
    %dma_start3A_170 = tpu.memref_slice %arg3[%dma_start3A_168, %dma_start3A_169] : memref<1000000x64xf32, #tpu.memory_space<hbm>> -> memref<1000000x64xf32, #tpu.memory_space<hbm>>
    tpu.enqueue_indirect_dma source(%dma_start3A_170 : memref<1000000x64xf32, #tpu.memory_space<hbm>>) target(%dma_start3A_164 : memref<50x64xf32, #tpu.memory_space<vmem>>) offsets(%dma_start3A_167 : memref<50xi32, #tpu.memory_space<vmem>>) semaphore(%arg10 : memref<!tpu.dma_semaphore, #tpu.memory_space<semaphore_mem>>)
    %dma_start3A_171 = arith.constant 13 : i32
    %dma_start3A_172 = arith.constant 3 : i32
    %dma_start3A_173 = arith.constant 1 : i32
    %dma_start3A_174 = arith.constant 0 : i32
    %dma_start3A_175 = arith.constant 0 : i32
    %dma_start3A_176 = tpu.memref_slice %arg6[%dma_start3A_172, %dma_start3A_173, %dma_start3A_174, %dma_start3A_175] : memref<4x4x50x64xf32, #tpu.memory_space<vmem>> -> memref<1x1x50x64xf32, #tpu.memory_space<vmem>>
    %dma_start3A_177 = tpu.memref_squeeze %dma_start3A_176 : memref<1x1x50x64xf32, #tpu.memory_space<vmem>> -> memref<50x64xf32, #tpu.memory_space<vmem>>
    %dma_start3A_178 = arith.constant 0 : i32
    %dma_start3A_179 = tpu.memref_slice %arg5[%dma_start3A_171, %dma_start3A_178] : memref<512x50xi32, #tpu.memory_space<vmem>> -> memref<1x50xi32, #tpu.memory_space<vmem>>
    %dma_start3A_180 = tpu.memref_squeeze %dma_start3A_179 : memref<1x50xi32, #tpu.memory_space<vmem>> -> memref<50xi32, #tpu.memory_space<vmem>>
    %dma_start3A_181 = arith.constant 0 : i32
    %dma_start3A_182 = arith.constant 0 : i32
    %dma_start3A_183 = tpu.memref_slice %arg3[%dma_start3A_181, %dma_start3A_182] : memref<1000000x64xf32, #tpu.memory_space<hbm>> -> memref<1000000x64xf32, #tpu.memory_space<hbm>>
    tpu.enqueue_indirect_dma source(%dma_start3A_183 : memref<1000000x64xf32, #tpu.memory_space<hbm>>) target(%dma_start3A_177 : memref<50x64xf32, #tpu.memory_space<vmem>>) offsets(%dma_start3A_180 : memref<50xi32, #tpu.memory_space<vmem>>) semaphore(%arg10 : memref<!tpu.dma_semaphore, #tpu.memory_space<semaphore_mem>>)
    %dma_start3A_184 = arith.constant 14 : i32
    %dma_start3A_185 = arith.constant 3 : i32
    %dma_start3A_186 = arith.constant 2 : i32
    %dma_start3A_187 = arith.constant 0 : i32
    %dma_start3A_188 = arith.constant 0 : i32
    %dma_start3A_189 = tpu.memref_slice %arg6[%dma_start3A_185, %dma_start3A_186, %dma_start3A_187, %dma_start3A_188] : memref<4x4x50x64xf32, #tpu.memory_space<vmem>> -> memref<1x1x50x64xf32, #tpu.memory_space<vmem>>
    %dma_start3A_190 = tpu.memref_squeeze %dma_start3A_189 : memref<1x1x50x64xf32, #tpu.memory_space<vmem>> -> memref<50x64xf32, #tpu.memory_space<vmem>>
    %dma_start3A_191 = arith.constant 0 : i32
    %dma_start3A_192 = tpu.memref_slice %arg5[%dma_start3A_184, %dma_start3A_191] : memref<512x50xi32, #tpu.memory_space<vmem>> -> memref<1x50xi32, #tpu.memory_space<vmem>>
    %dma_start3A_193 = tpu.memref_squeeze %dma_start3A_192 : memref<1x50xi32, #tpu.memory_space<vmem>> -> memref<50xi32, #tpu.memory_space<vmem>>
    %dma_start3A_194 = arith.constant 0 : i32
    %dma_start3A_195 = arith.constant 0 : i32
    %dma_start3A_196 = tpu.memref_slice %arg3[%dma_start3A_194, %dma_start3A_195] : memref<1000000x64xf32, #tpu.memory_space<hbm>> -> memref<1000000x64xf32, #tpu.memory_space<hbm>>
    tpu.enqueue_indirect_dma source(%dma_start3A_196 : memref<1000000x64xf32, #tpu.memory_space<hbm>>) target(%dma_start3A_190 : memref<50x64xf32, #tpu.memory_space<vmem>>) offsets(%dma_start3A_193 : memref<50xi32, #tpu.memory_space<vmem>>) semaphore(%arg10 : memref<!tpu.dma_semaphore, #tpu.memory_space<semaphore_mem>>)
    %dma_start3A_197 = arith.constant 15 : i32
    %dma_start3A_198 = arith.constant 3 : i32
    %dma_start3A_199 = arith.constant 3 : i32
    %dma_start3A_200 = arith.constant 0 : i32
    %dma_start3A_201 = arith.constant 0 : i32
    %dma_start3A_202 = tpu.memref_slice %arg6[%dma_start3A_198, %dma_start3A_199, %dma_start3A_200, %dma_start3A_201] : memref<4x4x50x64xf32, #tpu.memory_space<vmem>> -> memref<1x1x50x64xf32, #tpu.memory_space<vmem>>
    %dma_start3A_203 = tpu.memref_squeeze %dma_start3A_202 : memref<1x1x50x64xf32, #tpu.memory_space<vmem>> -> memref<50x64xf32, #tpu.memory_space<vmem>>
    %dma_start3A_204 = arith.constant 0 : i32
    %dma_start3A_205 = tpu.memref_slice %arg5[%dma_start3A_197, %dma_start3A_204] : memref<512x50xi32, #tpu.memory_space<vmem>> -> memref<1x50xi32, #tpu.memory_space<vmem>>
    %dma_start3A_206 = tpu.memref_squeeze %dma_start3A_205 : memref<1x50xi32, #tpu.memory_space<vmem>> -> memref<50xi32, #tpu.memory_space<vmem>>
    %dma_start3A_207 = arith.constant 0 : i32
    %dma_start3A_208 = arith.constant 0 : i32
    %dma_start3A_209 = tpu.memref_slice %arg3[%dma_start3A_207, %dma_start3A_208] : memref<1000000x64xf32, #tpu.memory_space<hbm>> -> memref<1000000x64xf32, #tpu.memory_space<hbm>>
    tpu.enqueue_indirect_dma source(%dma_start3A_209 : memref<1000000x64xf32, #tpu.memory_space<hbm>>) target(%dma_start3A_203 : memref<50x64xf32, #tpu.memory_space<vmem>>) offsets(%dma_start3A_206 : memref<50xi32, #tpu.memory_space<vmem>>) semaphore(%arg10 : memref<!tpu.dma_semaphore, #tpu.memory_space<semaphore_mem>>)
    %scan3A = arith.constant 0 : i32
    %scan3A_210 = arith.constant 0 : i32
    %scan3A_211 = arith.constant 31 : i32
    %scan3A_212 = arith.addi %scan3A_210, %scan3A_211 : i32
    %scan3A_213 = arith.constant 1 : i32
    scf.for %scan3A_574 = %scan3A_210 to %scan3A_212 step %scan3A_213  : i32 {
      %mul3A_575 = arith.constant 4 : i32
      %mul3A_576 = arith.muli %scan3A_574, %mul3A_575 : i32
      %add3A_577 = arith.constant 0 : i32
      %add3A_578 = arith.addi %mul3A_576, %add3A_577 : i32
      %mul3A_579 = arith.constant 4 : i32
      %mul3A_580 = arith.muli %add3A_578, %mul3A_579 : i32
      %add3A_581 = arith.constant 0 : i32
      %add3A_582 = arith.addi %mul3A_580, %add3A_581 : i32
      %dma_wait3A_583 = arith.constant 0 : i32
      %dma_wait3A_584 = arith.constant 0 : i32
      %dma_wait3A_585 = arith.constant 0 : i32
      %dma_wait3A_586 = arith.constant 0 : i32
      %dma_wait3A_587 = tpu.memref_slice %arg6[%dma_wait3A_583, %dma_wait3A_584, %dma_wait3A_585, %dma_wait3A_586] : memref<4x4x50x64xf32, #tpu.memory_space<vmem>> -> memref<1x1x50x64xf32, #tpu.memory_space<vmem>>
      %dma_wait3A_588 = tpu.memref_squeeze %dma_wait3A_587 : memref<1x1x50x64xf32, #tpu.memory_space<vmem>> -> memref<50x64xf32, #tpu.memory_space<vmem>>
      %dma_wait3A_589 = arith.constant 0 : i32
      %dma_wait3A_590 = tpu.memref_slice %arg5[%add3A_582, %dma_wait3A_589] : memref<512x50xi32, #tpu.memory_space<vmem>> -> memref<1x50xi32, #tpu.memory_space<vmem>>
      %dma_wait3A_591 = tpu.memref_squeeze %dma_wait3A_590 : memref<1x50xi32, #tpu.memory_space<vmem>> -> memref<50xi32, #tpu.memory_space<vmem>>
      %dma_wait3A_592 = arith.constant 0 : i32
      %dma_wait3A_593 = arith.constant 0 : i32
      %dma_wait3A_594 = tpu.memref_slice %arg3[%dma_wait3A_592, %dma_wait3A_593] : memref<1000000x64xf32, #tpu.memory_space<hbm>> -> memref<1000000x64xf32, #tpu.memory_space<hbm>>
      tpu.wait_indirect_dma semaphore(%arg7 : memref<!tpu.dma_semaphore, #tpu.memory_space<semaphore_mem>>) src(%dma_wait3A_594 : memref<1000000x64xf32, #tpu.memory_space<hbm>>) dst(%dma_wait3A_588 : memref<50x64xf32, #tpu.memory_space<vmem>>)
      %mul3A_595 = arith.constant 4 : i32
      %mul3A_596 = arith.muli %add3A_578, %mul3A_595 : i32
      %add3A_597 = arith.constant 1 : i32
      %add3A_598 = arith.addi %mul3A_596, %add3A_597 : i32
      %dma_wait3A_599 = arith.constant 0 : i32
      %dma_wait3A_600 = arith.constant 1 : i32
      %dma_wait3A_601 = arith.constant 0 : i32
      %dma_wait3A_602 = arith.constant 0 : i32
      %dma_wait3A_603 = tpu.memref_slice %arg6[%dma_wait3A_599, %dma_wait3A_600, %dma_wait3A_601, %dma_wait3A_602] : memref<4x4x50x64xf32, #tpu.memory_space<vmem>> -> memref<1x1x50x64xf32, #tpu.memory_space<vmem>>
      %dma_wait3A_604 = tpu.memref_squeeze %dma_wait3A_603 : memref<1x1x50x64xf32, #tpu.memory_space<vmem>> -> memref<50x64xf32, #tpu.memory_space<vmem>>
      %dma_wait3A_605 = arith.constant 0 : i32
      %dma_wait3A_606 = tpu.memref_slice %arg5[%add3A_598, %dma_wait3A_605] : memref<512x50xi32, #tpu.memory_space<vmem>> -> memref<1x50xi32, #tpu.memory_space<vmem>>
      %dma_wait3A_607 = tpu.memref_squeeze %dma_wait3A_606 : memref<1x50xi32, #tpu.memory_space<vmem>> -> memref<50xi32, #tpu.memory_space<vmem>>
      %dma_wait3A_608 = arith.constant 0 : i32
      %dma_wait3A_609 = arith.constant 0 : i32
      %dma_wait3A_610 = tpu.memref_slice %arg3[%dma_wait3A_608, %dma_wait3A_609] : memref<1000000x64xf32, #tpu.memory_space<hbm>> -> memref<1000000x64xf32, #tpu.memory_space<hbm>>
      tpu.wait_indirect_dma semaphore(%arg7 : memref<!tpu.dma_semaphore, #tpu.memory_space<semaphore_mem>>) src(%dma_wait3A_610 : memref<1000000x64xf32, #tpu.memory_space<hbm>>) dst(%dma_wait3A_604 : memref<50x64xf32, #tpu.memory_space<vmem>>)
      %mul3A_611 = arith.constant 4 : i32
      %mul3A_612 = arith.muli %add3A_578, %mul3A_611 : i32
      %add3A_613 = arith.constant 2 : i32
      %add3A_614 = arith.addi %mul3A_612, %add3A_613 : i32
      %dma_wait3A_615 = arith.constant 0 : i32
      %dma_wait3A_616 = arith.constant 2 : i32
      %dma_wait3A_617 = arith.constant 0 : i32
      %dma_wait3A_618 = arith.constant 0 : i32
      %dma_wait3A_619 = tpu.memref_slice %arg6[%dma_wait3A_615, %dma_wait3A_616, %dma_wait3A_617, %dma_wait3A_618] : memref<4x4x50x64xf32, #tpu.memory_space<vmem>> -> memref<1x1x50x64xf32, #tpu.memory_space<vmem>>
      %dma_wait3A_620 = tpu.memref_squeeze %dma_wait3A_619 : memref<1x1x50x64xf32, #tpu.memory_space<vmem>> -> memref<50x64xf32, #tpu.memory_space<vmem>>
      %dma_wait3A_621 = arith.constant 0 : i32
      %dma_wait3A_622 = tpu.memref_slice %arg5[%add3A_614, %dma_wait3A_621] : memref<512x50xi32, #tpu.memory_space<vmem>> -> memref<1x50xi32, #tpu.memory_space<vmem>>
      %dma_wait3A_623 = tpu.memref_squeeze %dma_wait3A_622 : memref<1x50xi32, #tpu.memory_space<vmem>> -> memref<50xi32, #tpu.memory_space<vmem>>
      %dma_wait3A_624 = arith.constant 0 : i32
      %dma_wait3A_625 = arith.constant 0 : i32
      %dma_wait3A_626 = tpu.memref_slice %arg3[%dma_wait3A_624, %dma_wait3A_625] : memref<1000000x64xf32, #tpu.memory_space<hbm>> -> memref<1000000x64xf32, #tpu.memory_space<hbm>>
      tpu.wait_indirect_dma semaphore(%arg7 : memref<!tpu.dma_semaphore, #tpu.memory_space<semaphore_mem>>) src(%dma_wait3A_626 : memref<1000000x64xf32, #tpu.memory_space<hbm>>) dst(%dma_wait3A_620 : memref<50x64xf32, #tpu.memory_space<vmem>>)
      %mul3A_627 = arith.constant 4 : i32
      %mul3A_628 = arith.muli %add3A_578, %mul3A_627 : i32
      %add3A_629 = arith.constant 3 : i32
      %add3A_630 = arith.addi %mul3A_628, %add3A_629 : i32
      %dma_wait3A_631 = arith.constant 0 : i32
      %dma_wait3A_632 = arith.constant 3 : i32
      %dma_wait3A_633 = arith.constant 0 : i32
      %dma_wait3A_634 = arith.constant 0 : i32
      %dma_wait3A_635 = tpu.memref_slice %arg6[%dma_wait3A_631, %dma_wait3A_632, %dma_wait3A_633, %dma_wait3A_634] : memref<4x4x50x64xf32, #tpu.memory_space<vmem>> -> memref<1x1x50x64xf32, #tpu.memory_space<vmem>>
      %dma_wait3A_636 = tpu.memref_squeeze %dma_wait3A_635 : memref<1x1x50x64xf32, #tpu.memory_space<vmem>> -> memref<50x64xf32, #tpu.memory_space<vmem>>
      %dma_wait3A_637 = arith.constant 0 : i32
      %dma_wait3A_638 = tpu.memref_slice %arg5[%add3A_630, %dma_wait3A_637] : memref<512x50xi32, #tpu.memory_space<vmem>> -> memref<1x50xi32, #tpu.memory_space<vmem>>
      %dma_wait3A_639 = tpu.memref_squeeze %dma_wait3A_638 : memref<1x50xi32, #tpu.memory_space<vmem>> -> memref<50xi32, #tpu.memory_space<vmem>>
      %dma_wait3A_640 = arith.constant 0 : i32
      %dma_wait3A_641 = arith.constant 0 : i32
      %dma_wait3A_642 = tpu.memref_slice %arg3[%dma_wait3A_640, %dma_wait3A_641] : memref<1000000x64xf32, #tpu.memory_space<hbm>> -> memref<1000000x64xf32, #tpu.memory_space<hbm>>
      tpu.wait_indirect_dma semaphore(%arg7 : memref<!tpu.dma_semaphore, #tpu.memory_space<semaphore_mem>>) src(%dma_wait3A_642 : memref<1000000x64xf32, #tpu.memory_space<hbm>>) dst(%dma_wait3A_636 : memref<50x64xf32, #tpu.memory_space<vmem>>)
      %mul3A_643 = arith.constant 4 : i32
      %mul3A_644 = arith.muli %add3A_578, %mul3A_643 : i32
      %add3A_645 = arith.addi %mul3A_2, %mul3A_644 : i32
      %dma_start3A_646 = arith.constant 0 : i32
      %dma_start3A_647 = arith.constant 0 : i32
      %dma_start3A_648 = arith.constant 0 : i32
      %dma_start3A_649 = arith.constant 0 : i32
      %dma_start3A_650 = tpu.memref_slice %arg6[%dma_start3A_646, %dma_start3A_647, %dma_start3A_648, %dma_start3A_649] : memref<4x4x50x64xf32, #tpu.memory_space<vmem>> -> memref<1x4x50x64xf32, #tpu.memory_space<vmem>>
      %dma_start3A_651 = tpu.memref_squeeze %dma_start3A_650 : memref<1x4x50x64xf32, #tpu.memory_space<vmem>> -> memref<4x50x64xf32, #tpu.memory_space<vmem>>
      %dma_start3A_652 = arith.constant 0 : i32
      %dma_start3A_653 = arith.constant 0 : i32
      %dma_start3A_654 = tpu.memref_slice %arg4[%add3A_645, %dma_start3A_652, %dma_start3A_653] : memref<16384x50x64xf32, #tpu.memory_space<hbm>> -> memref<4x50x64xf32, #tpu.memory_space<hbm>>
      %dma_start3A_655 = arith.constant 0 : i32
      %dma_start3A_656 = arith.constant 0 : i32
      %dma_start3A_657 = tpu.memref_slice %arg4[%add3A_645, %dma_start3A_655, %dma_start3A_656] : memref<16384x50x64xf32, #tpu.memory_space<hbm>> -> memref<4x50x64xf32, #tpu.memory_space<hbm>>
      %dma_start3A_658 = arith.constant 0 : i32
      %dma_start3A_659 = arith.constant 0 : i32
      %dma_start3A_660 = arith.constant 0 : i32
      %dma_start3A_661 = tpu.memref_slice %arg6[%dma_start3A_646, %dma_start3A_658, %dma_start3A_659, %dma_start3A_660] : memref<4x4x50x64xf32, #tpu.memory_space<vmem>> -> memref<1x4x50x64xf32, #tpu.memory_space<vmem>>
      %dma_start3A_662 = tpu.memref_squeeze %dma_start3A_661 : memref<1x4x50x64xf32, #tpu.memory_space<vmem>> -> memref<4x50x64xf32, #tpu.memory_space<vmem>>
      tpu.enqueue_dma source(%dma_start3A_662 : memref<4x50x64xf32, #tpu.memory_space<vmem>>) target(%dma_start3A_657 : memref<4x50x64xf32, #tpu.memory_space<hbm>>) target_semaphore(%arg11 : memref<!tpu.dma_semaphore, #tpu.memory_space<semaphore_mem>>)
      %mul3A_663 = arith.constant 4 : i32
      %mul3A_664 = arith.muli %scan3A_574, %mul3A_663 : i32
      %add3A_665 = arith.constant 1 : i32
      %add3A_666 = arith.addi %mul3A_664, %add3A_665 : i32
      %mul3A_667 = arith.constant 4 : i32
      %mul3A_668 = arith.muli %add3A_666, %mul3A_667 : i32
      %add3A_669 = arith.constant 0 : i32
      %add3A_670 = arith.addi %mul3A_668, %add3A_669 : i32
      %dma_wait3A_671 = arith.constant 1 : i32
      %dma_wait3A_672 = arith.constant 0 : i32
      %dma_wait3A_673 = arith.constant 0 : i32
      %dma_wait3A_674 = arith.constant 0 : i32
      %dma_wait3A_675 = tpu.memref_slice %arg6[%dma_wait3A_671, %dma_wait3A_672, %dma_wait3A_673, %dma_wait3A_674] : memref<4x4x50x64xf32, #tpu.memory_space<vmem>> -> memref<1x1x50x64xf32, #tpu.memory_space<vmem>>
      %dma_wait3A_676 = tpu.memref_squeeze %dma_wait3A_675 : memref<1x1x50x64xf32, #tpu.memory_space<vmem>> -> memref<50x64xf32, #tpu.memory_space<vmem>>
      %dma_wait3A_677 = arith.constant 0 : i32
      %dma_wait3A_678 = tpu.memref_slice %arg5[%add3A_670, %dma_wait3A_677] : memref<512x50xi32, #tpu.memory_space<vmem>> -> memref<1x50xi32, #tpu.memory_space<vmem>>
      %dma_wait3A_679 = tpu.memref_squeeze %dma_wait3A_678 : memref<1x50xi32, #tpu.memory_space<vmem>> -> memref<50xi32, #tpu.memory_space<vmem>>
      %dma_wait3A_680 = arith.constant 0 : i32
      %dma_wait3A_681 = arith.constant 0 : i32
      %dma_wait3A_682 = tpu.memref_slice %arg3[%dma_wait3A_680, %dma_wait3A_681] : memref<1000000x64xf32, #tpu.memory_space<hbm>> -> memref<1000000x64xf32, #tpu.memory_space<hbm>>
      tpu.wait_indirect_dma semaphore(%arg8 : memref<!tpu.dma_semaphore, #tpu.memory_space<semaphore_mem>>) src(%dma_wait3A_682 : memref<1000000x64xf32, #tpu.memory_space<hbm>>) dst(%dma_wait3A_676 : memref<50x64xf32, #tpu.memory_space<vmem>>)
      %mul3A_683 = arith.constant 4 : i32
      %mul3A_684 = arith.muli %add3A_666, %mul3A_683 : i32
      %add3A_685 = arith.constant 1 : i32
      %add3A_686 = arith.addi %mul3A_684, %add3A_685 : i32
      %dma_wait3A_687 = arith.constant 1 : i32
      %dma_wait3A_688 = arith.constant 1 : i32
      %dma_wait3A_689 = arith.constant 0 : i32
      %dma_wait3A_690 = arith.constant 0 : i32
      %dma_wait3A_691 = tpu.memref_slice %arg6[%dma_wait3A_687, %dma_wait3A_688, %dma_wait3A_689, %dma_wait3A_690] : memref<4x4x50x64xf32, #tpu.memory_space<vmem>> -> memref<1x1x50x64xf32, #tpu.memory_space<vmem>>
      %dma_wait3A_692 = tpu.memref_squeeze %dma_wait3A_691 : memref<1x1x50x64xf32, #tpu.memory_space<vmem>> -> memref<50x64xf32, #tpu.memory_space<vmem>>
      %dma_wait3A_693 = arith.constant 0 : i32
      %dma_wait3A_694 = tpu.memref_slice %arg5[%add3A_686, %dma_wait3A_693] : memref<512x50xi32, #tpu.memory_space<vmem>> -> memref<1x50xi32, #tpu.memory_space<vmem>>
      %dma_wait3A_695 = tpu.memref_squeeze %dma_wait3A_694 : memref<1x50xi32, #tpu.memory_space<vmem>> -> memref<50xi32, #tpu.memory_space<vmem>>
      %dma_wait3A_696 = arith.constant 0 : i32
      %dma_wait3A_697 = arith.constant 0 : i32
      %dma_wait3A_698 = tpu.memref_slice %arg3[%dma_wait3A_696, %dma_wait3A_697] : memref<1000000x64xf32, #tpu.memory_space<hbm>> -> memref<1000000x64xf32, #tpu.memory_space<hbm>>
      tpu.wait_indirect_dma semaphore(%arg8 : memref<!tpu.dma_semaphore, #tpu.memory_space<semaphore_mem>>) src(%dma_wait3A_698 : memref<1000000x64xf32, #tpu.memory_space<hbm>>) dst(%dma_wait3A_692 : memref<50x64xf32, #tpu.memory_space<vmem>>)
      %mul3A_699 = arith.constant 4 : i32
      %mul3A_700 = arith.muli %add3A_666, %mul3A_699 : i32
      %add3A_701 = arith.constant 2 : i32
      %add3A_702 = arith.addi %mul3A_700, %add3A_701 : i32
      %dma_wait3A_703 = arith.constant 1 : i32
      %dma_wait3A_704 = arith.constant 2 : i32
      %dma_wait3A_705 = arith.constant 0 : i32
      %dma_wait3A_706 = arith.constant 0 : i32
      %dma_wait3A_707 = tpu.memref_slice %arg6[%dma_wait3A_703, %dma_wait3A_704, %dma_wait3A_705, %dma_wait3A_706] : memref<4x4x50x64xf32, #tpu.memory_space<vmem>> -> memref<1x1x50x64xf32, #tpu.memory_space<vmem>>
      %dma_wait3A_708 = tpu.memref_squeeze %dma_wait3A_707 : memref<1x1x50x64xf32, #tpu.memory_space<vmem>> -> memref<50x64xf32, #tpu.memory_space<vmem>>
      %dma_wait3A_709 = arith.constant 0 : i32
      %dma_wait3A_710 = tpu.memref_slice %arg5[%add3A_702, %dma_wait3A_709] : memref<512x50xi32, #tpu.memory_space<vmem>> -> memref<1x50xi32, #tpu.memory_space<vmem>>
      %dma_wait3A_711 = tpu.memref_squeeze %dma_wait3A_710 : memref<1x50xi32, #tpu.memory_space<vmem>> -> memref<50xi32, #tpu.memory_space<vmem>>
      %dma_wait3A_712 = arith.constant 0 : i32
      %dma_wait3A_713 = arith.constant 0 : i32
      %dma_wait3A_714 = tpu.memref_slice %arg3[%dma_wait3A_712, %dma_wait3A_713] : memref<1000000x64xf32, #tpu.memory_space<hbm>> -> memref<1000000x64xf32, #tpu.memory_space<hbm>>
      tpu.wait_indirect_dma semaphore(%arg8 : memref<!tpu.dma_semaphore, #tpu.memory_space<semaphore_mem>>) src(%dma_wait3A_714 : memref<1000000x64xf32, #tpu.memory_space<hbm>>) dst(%dma_wait3A_708 : memref<50x64xf32, #tpu.memory_space<vmem>>)
      %mul3A_715 = arith.constant 4 : i32
      %mul3A_716 = arith.muli %add3A_666, %mul3A_715 : i32
      %add3A_717 = arith.constant 3 : i32
      %add3A_718 = arith.addi %mul3A_716, %add3A_717 : i32
      %dma_wait3A_719 = arith.constant 1 : i32
      %dma_wait3A_720 = arith.constant 3 : i32
      %dma_wait3A_721 = arith.constant 0 : i32
      %dma_wait3A_722 = arith.constant 0 : i32
      %dma_wait3A_723 = tpu.memref_slice %arg6[%dma_wait3A_719, %dma_wait3A_720, %dma_wait3A_721, %dma_wait3A_722] : memref<4x4x50x64xf32, #tpu.memory_space<vmem>> -> memref<1x1x50x64xf32, #tpu.memory_space<vmem>>
      %dma_wait3A_724 = tpu.memref_squeeze %dma_wait3A_723 : memref<1x1x50x64xf32, #tpu.memory_space<vmem>> -> memref<50x64xf32, #tpu.memory_space<vmem>>
      %dma_wait3A_725 = arith.constant 0 : i32
      %dma_wait3A_726 = tpu.memref_slice %arg5[%add3A_718, %dma_wait3A_725] : memref<512x50xi32, #tpu.memory_space<vmem>> -> memref<1x50xi32, #tpu.memory_space<vmem>>
      %dma_wait3A_727 = tpu.memref_squeeze %dma_wait3A_726 : memref<1x50xi32, #tpu.memory_space<vmem>> -> memref<50xi32, #tpu.memory_space<vmem>>
      %dma_wait3A_728 = arith.constant 0 : i32
      %dma_wait3A_729 = arith.constant 0 : i32
      %dma_wait3A_730 = tpu.memref_slice %arg3[%dma_wait3A_728, %dma_wait3A_729] : memref<1000000x64xf32, #tpu.memory_space<hbm>> -> memref<1000000x64xf32, #tpu.memory_space<hbm>>
      tpu.wait_indirect_dma semaphore(%arg8 : memref<!tpu.dma_semaphore, #tpu.memory_space<semaphore_mem>>) src(%dma_wait3A_730 : memref<1000000x64xf32, #tpu.memory_space<hbm>>) dst(%dma_wait3A_724 : memref<50x64xf32, #tpu.memory_space<vmem>>)
      %mul3A_731 = arith.constant 4 : i32
      %mul3A_732 = arith.muli %add3A_666, %mul3A_731 : i32
      %add3A_733 = arith.addi %mul3A_2, %mul3A_732 : i32
      %dma_start3A_734 = arith.constant 1 : i32
      %dma_start3A_735 = arith.constant 0 : i32
      %dma_start3A_736 = arith.constant 0 : i32
      %dma_start3A_737 = arith.constant 0 : i32
      %dma_start3A_738 = tpu.memref_slice %arg6[%dma_start3A_734, %dma_start3A_735, %dma_start3A_736, %dma_start3A_737] : memref<4x4x50x64xf32, #tpu.memory_space<vmem>> -> memref<1x4x50x64xf32, #tpu.memory_space<vmem>>
      %dma_start3A_739 = tpu.memref_squeeze %dma_start3A_738 : memref<1x4x50x64xf32, #tpu.memory_space<vmem>> -> memref<4x50x64xf32, #tpu.memory_space<vmem>>
      %dma_start3A_740 = arith.constant 0 : i32
      %dma_start3A_741 = arith.constant 0 : i32
      %dma_start3A_742 = tpu.memref_slice %arg4[%add3A_733, %dma_start3A_740, %dma_start3A_741] : memref<16384x50x64xf32, #tpu.memory_space<hbm>> -> memref<4x50x64xf32, #tpu.memory_space<hbm>>
      %dma_start3A_743 = arith.constant 0 : i32
      %dma_start3A_744 = arith.constant 0 : i32
      %dma_start3A_745 = tpu.memref_slice %arg4[%add3A_733, %dma_start3A_743, %dma_start3A_744] : memref<16384x50x64xf32, #tpu.memory_space<hbm>> -> memref<4x50x64xf32, #tpu.memory_space<hbm>>
      %dma_start3A_746 = arith.constant 0 : i32
      %dma_start3A_747 = arith.constant 0 : i32
      %dma_start3A_748 = arith.constant 0 : i32
      %dma_start3A_749 = tpu.memref_slice %arg6[%dma_start3A_734, %dma_start3A_746, %dma_start3A_747, %dma_start3A_748] : memref<4x4x50x64xf32, #tpu.memory_space<vmem>> -> memref<1x4x50x64xf32, #tpu.memory_space<vmem>>
      %dma_start3A_750 = tpu.memref_squeeze %dma_start3A_749 : memref<1x4x50x64xf32, #tpu.memory_space<vmem>> -> memref<4x50x64xf32, #tpu.memory_space<vmem>>
      tpu.enqueue_dma source(%dma_start3A_750 : memref<4x50x64xf32, #tpu.memory_space<vmem>>) target(%dma_start3A_745 : memref<4x50x64xf32, #tpu.memory_space<hbm>>) target_semaphore(%arg12 : memref<!tpu.dma_semaphore, #tpu.memory_space<semaphore_mem>>)
      %mul3A_751 = arith.constant 4 : i32
      %mul3A_752 = arith.muli %scan3A_574, %mul3A_751 : i32
      %add3A_753 = arith.constant 2 : i32
      %add3A_754 = arith.addi %mul3A_752, %add3A_753 : i32
      %mul3A_755 = arith.constant 4 : i32
      %mul3A_756 = arith.muli %add3A_754, %mul3A_755 : i32
      %add3A_757 = arith.constant 0 : i32
      %add3A_758 = arith.addi %mul3A_756, %add3A_757 : i32
      %dma_wait3A_759 = arith.constant 2 : i32
      %dma_wait3A_760 = arith.constant 0 : i32
      %dma_wait3A_761 = arith.constant 0 : i32
      %dma_wait3A_762 = arith.constant 0 : i32
      %dma_wait3A_763 = tpu.memref_slice %arg6[%dma_wait3A_759, %dma_wait3A_760, %dma_wait3A_761, %dma_wait3A_762] : memref<4x4x50x64xf32, #tpu.memory_space<vmem>> -> memref<1x1x50x64xf32, #tpu.memory_space<vmem>>
      %dma_wait3A_764 = tpu.memref_squeeze %dma_wait3A_763 : memref<1x1x50x64xf32, #tpu.memory_space<vmem>> -> memref<50x64xf32, #tpu.memory_space<vmem>>
      %dma_wait3A_765 = arith.constant 0 : i32
      %dma_wait3A_766 = tpu.memref_slice %arg5[%add3A_758, %dma_wait3A_765] : memref<512x50xi32, #tpu.memory_space<vmem>> -> memref<1x50xi32, #tpu.memory_space<vmem>>
      %dma_wait3A_767 = tpu.memref_squeeze %dma_wait3A_766 : memref<1x50xi32, #tpu.memory_space<vmem>> -> memref<50xi32, #tpu.memory_space<vmem>>
      %dma_wait3A_768 = arith.constant 0 : i32
      %dma_wait3A_769 = arith.constant 0 : i32
      %dma_wait3A_770 = tpu.memref_slice %arg3[%dma_wait3A_768, %dma_wait3A_769] : memref<1000000x64xf32, #tpu.memory_space<hbm>> -> memref<1000000x64xf32, #tpu.memory_space<hbm>>
      tpu.wait_indirect_dma semaphore(%arg9 : memref<!tpu.dma_semaphore, #tpu.memory_space<semaphore_mem>>) src(%dma_wait3A_770 : memref<1000000x64xf32, #tpu.memory_space<hbm>>) dst(%dma_wait3A_764 : memref<50x64xf32, #tpu.memory_space<vmem>>)
      %mul3A_771 = arith.constant 4 : i32
      %mul3A_772 = arith.muli %add3A_754, %mul3A_771 : i32
      %add3A_773 = arith.constant 1 : i32
      %add3A_774 = arith.addi %mul3A_772, %add3A_773 : i32
      %dma_wait3A_775 = arith.constant 2 : i32
      %dma_wait3A_776 = arith.constant 1 : i32
      %dma_wait3A_777 = arith.constant 0 : i32
      %dma_wait3A_778 = arith.constant 0 : i32
      %dma_wait3A_779 = tpu.memref_slice %arg6[%dma_wait3A_775, %dma_wait3A_776, %dma_wait3A_777, %dma_wait3A_778] : memref<4x4x50x64xf32, #tpu.memory_space<vmem>> -> memref<1x1x50x64xf32, #tpu.memory_space<vmem>>
      %dma_wait3A_780 = tpu.memref_squeeze %dma_wait3A_779 : memref<1x1x50x64xf32, #tpu.memory_space<vmem>> -> memref<50x64xf32, #tpu.memory_space<vmem>>
      %dma_wait3A_781 = arith.constant 0 : i32
      %dma_wait3A_782 = tpu.memref_slice %arg5[%add3A_774, %dma_wait3A_781] : memref<512x50xi32, #tpu.memory_space<vmem>> -> memref<1x50xi32, #tpu.memory_space<vmem>>
      %dma_wait3A_783 = tpu.memref_squeeze %dma_wait3A_782 : memref<1x50xi32, #tpu.memory_space<vmem>> -> memref<50xi32, #tpu.memory_space<vmem>>
      %dma_wait3A_784 = arith.constant 0 : i32
      %dma_wait3A_785 = arith.constant 0 : i32
      %dma_wait3A_786 = tpu.memref_slice %arg3[%dma_wait3A_784, %dma_wait3A_785] : memref<1000000x64xf32, #tpu.memory_space<hbm>> -> memref<1000000x64xf32, #tpu.memory_space<hbm>>
      tpu.wait_indirect_dma semaphore(%arg9 : memref<!tpu.dma_semaphore, #tpu.memory_space<semaphore_mem>>) src(%dma_wait3A_786 : memref<1000000x64xf32, #tpu.memory_space<hbm>>) dst(%dma_wait3A_780 : memref<50x64xf32, #tpu.memory_space<vmem>>)
      %mul3A_787 = arith.constant 4 : i32
      %mul3A_788 = arith.muli %add3A_754, %mul3A_787 : i32
      %add3A_789 = arith.constant 2 : i32
      %add3A_790 = arith.addi %mul3A_788, %add3A_789 : i32
      %dma_wait3A_791 = arith.constant 2 : i32
      %dma_wait3A_792 = arith.constant 2 : i32
      %dma_wait3A_793 = arith.constant 0 : i32
      %dma_wait3A_794 = arith.constant 0 : i32
      %dma_wait3A_795 = tpu.memref_slice %arg6[%dma_wait3A_791, %dma_wait3A_792, %dma_wait3A_793, %dma_wait3A_794] : memref<4x4x50x64xf32, #tpu.memory_space<vmem>> -> memref<1x1x50x64xf32, #tpu.memory_space<vmem>>
      %dma_wait3A_796 = tpu.memref_squeeze %dma_wait3A_795 : memref<1x1x50x64xf32, #tpu.memory_space<vmem>> -> memref<50x64xf32, #tpu.memory_space<vmem>>
      %dma_wait3A_797 = arith.constant 0 : i32
      %dma_wait3A_798 = tpu.memref_slice %arg5[%add3A_790, %dma_wait3A_797] : memref<512x50xi32, #tpu.memory_space<vmem>> -> memref<1x50xi32, #tpu.memory_space<vmem>>
      %dma_wait3A_799 = tpu.memref_squeeze %dma_wait3A_798 : memref<1x50xi32, #tpu.memory_space<vmem>> -> memref<50xi32, #tpu.memory_space<vmem>>
      %dma_wait3A_800 = arith.constant 0 : i32
      %dma_wait3A_801 = arith.constant 0 : i32
      %dma_wait3A_802 = tpu.memref_slice %arg3[%dma_wait3A_800, %dma_wait3A_801] : memref<1000000x64xf32, #tpu.memory_space<hbm>> -> memref<1000000x64xf32, #tpu.memory_space<hbm>>
      tpu.wait_indirect_dma semaphore(%arg9 : memref<!tpu.dma_semaphore, #tpu.memory_space<semaphore_mem>>) src(%dma_wait3A_802 : memref<1000000x64xf32, #tpu.memory_space<hbm>>) dst(%dma_wait3A_796 : memref<50x64xf32, #tpu.memory_space<vmem>>)
      %mul3A_803 = arith.constant 4 : i32
      %mul3A_804 = arith.muli %add3A_754, %mul3A_803 : i32
      %add3A_805 = arith.constant 3 : i32
      %add3A_806 = arith.addi %mul3A_804, %add3A_805 : i32
      %dma_wait3A_807 = arith.constant 2 : i32
      %dma_wait3A_808 = arith.constant 3 : i32
      %dma_wait3A_809 = arith.constant 0 : i32
      %dma_wait3A_810 = arith.constant 0 : i32
      %dma_wait3A_811 = tpu.memref_slice %arg6[%dma_wait3A_807, %dma_wait3A_808, %dma_wait3A_809, %dma_wait3A_810] : memref<4x4x50x64xf32, #tpu.memory_space<vmem>> -> memref<1x1x50x64xf32, #tpu.memory_space<vmem>>
      %dma_wait3A_812 = tpu.memref_squeeze %dma_wait3A_811 : memref<1x1x50x64xf32, #tpu.memory_space<vmem>> -> memref<50x64xf32, #tpu.memory_space<vmem>>
      %dma_wait3A_813 = arith.constant 0 : i32
      %dma_wait3A_814 = tpu.memref_slice %arg5[%add3A_806, %dma_wait3A_813] : memref<512x50xi32, #tpu.memory_space<vmem>> -> memref<1x50xi32, #tpu.memory_space<vmem>>
      %dma_wait3A_815 = tpu.memref_squeeze %dma_wait3A_814 : memref<1x50xi32, #tpu.memory_space<vmem>> -> memref<50xi32, #tpu.memory_space<vmem>>
      %dma_wait3A_816 = arith.constant 0 : i32
      %dma_wait3A_817 = arith.constant 0 : i32
      %dma_wait3A_818 = tpu.memref_slice %arg3[%dma_wait3A_816, %dma_wait3A_817] : memref<1000000x64xf32, #tpu.memory_space<hbm>> -> memref<1000000x64xf32, #tpu.memory_space<hbm>>
      tpu.wait_indirect_dma semaphore(%arg9 : memref<!tpu.dma_semaphore, #tpu.memory_space<semaphore_mem>>) src(%dma_wait3A_818 : memref<1000000x64xf32, #tpu.memory_space<hbm>>) dst(%dma_wait3A_812 : memref<50x64xf32, #tpu.memory_space<vmem>>)
      %mul3A_819 = arith.constant 4 : i32
      %mul3A_820 = arith.muli %add3A_754, %mul3A_819 : i32
      %add3A_821 = arith.addi %mul3A_2, %mul3A_820 : i32
      %dma_start3A_822 = arith.constant 2 : i32
      %dma_start3A_823 = arith.constant 0 : i32
      %dma_start3A_824 = arith.constant 0 : i32
      %dma_start3A_825 = arith.constant 0 : i32
      %dma_start3A_826 = tpu.memref_slice %arg6[%dma_start3A_822, %dma_start3A_823, %dma_start3A_824, %dma_start3A_825] : memref<4x4x50x64xf32, #tpu.memory_space<vmem>> -> memref<1x4x50x64xf32, #tpu.memory_space<vmem>>
      %dma_start3A_827 = tpu.memref_squeeze %dma_start3A_826 : memref<1x4x50x64xf32, #tpu.memory_space<vmem>> -> memref<4x50x64xf32, #tpu.memory_space<vmem>>
      %dma_start3A_828 = arith.constant 0 : i32
      %dma_start3A_829 = arith.constant 0 : i32
      %dma_start3A_830 = tpu.memref_slice %arg4[%add3A_821, %dma_start3A_828, %dma_start3A_829] : memref<16384x50x64xf32, #tpu.memory_space<hbm>> -> memref<4x50x64xf32, #tpu.memory_space<hbm>>
      %dma_start3A_831 = arith.constant 0 : i32
      %dma_start3A_832 = arith.constant 0 : i32
      %dma_start3A_833 = tpu.memref_slice %arg4[%add3A_821, %dma_start3A_831, %dma_start3A_832] : memref<16384x50x64xf32, #tpu.memory_space<hbm>> -> memref<4x50x64xf32, #tpu.memory_space<hbm>>
      %dma_start3A_834 = arith.constant 0 : i32
      %dma_start3A_835 = arith.constant 0 : i32
      %dma_start3A_836 = arith.constant 0 : i32
      %dma_start3A_837 = tpu.memref_slice %arg6[%dma_start3A_822, %dma_start3A_834, %dma_start3A_835, %dma_start3A_836] : memref<4x4x50x64xf32, #tpu.memory_space<vmem>> -> memref<1x4x50x64xf32, #tpu.memory_space<vmem>>
      %dma_start3A_838 = tpu.memref_squeeze %dma_start3A_837 : memref<1x4x50x64xf32, #tpu.memory_space<vmem>> -> memref<4x50x64xf32, #tpu.memory_space<vmem>>
      tpu.enqueue_dma source(%dma_start3A_838 : memref<4x50x64xf32, #tpu.memory_space<vmem>>) target(%dma_start3A_833 : memref<4x50x64xf32, #tpu.memory_space<hbm>>) target_semaphore(%arg13 : memref<!tpu.dma_semaphore, #tpu.memory_space<semaphore_mem>>)
      %mul3A_839 = arith.constant 4 : i32
      %mul3A_840 = arith.muli %scan3A_574, %mul3A_839 : i32
      %add3A_841 = arith.constant 3 : i32
      %add3A_842 = arith.addi %mul3A_840, %add3A_841 : i32
      %mul3A_843 = arith.constant 4 : i32
      %mul3A_844 = arith.muli %add3A_842, %mul3A_843 : i32
      %add3A_845 = arith.constant 0 : i32
      %add3A_846 = arith.addi %mul3A_844, %add3A_845 : i32
      %dma_wait3A_847 = arith.constant 3 : i32
      %dma_wait3A_848 = arith.constant 0 : i32
      %dma_wait3A_849 = arith.constant 0 : i32
      %dma_wait3A_850 = arith.constant 0 : i32
      %dma_wait3A_851 = tpu.memref_slice %arg6[%dma_wait3A_847, %dma_wait3A_848, %dma_wait3A_849, %dma_wait3A_850] : memref<4x4x50x64xf32, #tpu.memory_space<vmem>> -> memref<1x1x50x64xf32, #tpu.memory_space<vmem>>
      %dma_wait3A_852 = tpu.memref_squeeze %dma_wait3A_851 : memref<1x1x50x64xf32, #tpu.memory_space<vmem>> -> memref<50x64xf32, #tpu.memory_space<vmem>>
      %dma_wait3A_853 = arith.constant 0 : i32
      %dma_wait3A_854 = tpu.memref_slice %arg5[%add3A_846, %dma_wait3A_853] : memref<512x50xi32, #tpu.memory_space<vmem>> -> memref<1x50xi32, #tpu.memory_space<vmem>>
      %dma_wait3A_855 = tpu.memref_squeeze %dma_wait3A_854 : memref<1x50xi32, #tpu.memory_space<vmem>> -> memref<50xi32, #tpu.memory_space<vmem>>
      %dma_wait3A_856 = arith.constant 0 : i32
      %dma_wait3A_857 = arith.constant 0 : i32
      %dma_wait3A_858 = tpu.memref_slice %arg3[%dma_wait3A_856, %dma_wait3A_857] : memref<1000000x64xf32, #tpu.memory_space<hbm>> -> memref<1000000x64xf32, #tpu.memory_space<hbm>>
      tpu.wait_indirect_dma semaphore(%arg10 : memref<!tpu.dma_semaphore, #tpu.memory_space<semaphore_mem>>) src(%dma_wait3A_858 : memref<1000000x64xf32, #tpu.memory_space<hbm>>) dst(%dma_wait3A_852 : memref<50x64xf32, #tpu.memory_space<vmem>>)
      %mul3A_859 = arith.constant 4 : i32
      %mul3A_860 = arith.muli %add3A_842, %mul3A_859 : i32
      %add3A_861 = arith.constant 1 : i32
      %add3A_862 = arith.addi %mul3A_860, %add3A_861 : i32
      %dma_wait3A_863 = arith.constant 3 : i32
      %dma_wait3A_864 = arith.constant 1 : i32
      %dma_wait3A_865 = arith.constant 0 : i32
      %dma_wait3A_866 = arith.constant 0 : i32
      %dma_wait3A_867 = tpu.memref_slice %arg6[%dma_wait3A_863, %dma_wait3A_864, %dma_wait3A_865, %dma_wait3A_866] : memref<4x4x50x64xf32, #tpu.memory_space<vmem>> -> memref<1x1x50x64xf32, #tpu.memory_space<vmem>>
      %dma_wait3A_868 = tpu.memref_squeeze %dma_wait3A_867 : memref<1x1x50x64xf32, #tpu.memory_space<vmem>> -> memref<50x64xf32, #tpu.memory_space<vmem>>
      %dma_wait3A_869 = arith.constant 0 : i32
      %dma_wait3A_870 = tpu.memref_slice %arg5[%add3A_862, %dma_wait3A_869] : memref<512x50xi32, #tpu.memory_space<vmem>> -> memref<1x50xi32, #tpu.memory_space<vmem>>
      %dma_wait3A_871 = tpu.memref_squeeze %dma_wait3A_870 : memref<1x50xi32, #tpu.memory_space<vmem>> -> memref<50xi32, #tpu.memory_space<vmem>>
      %dma_wait3A_872 = arith.constant 0 : i32
      %dma_wait3A_873 = arith.constant 0 : i32
      %dma_wait3A_874 = tpu.memref_slice %arg3[%dma_wait3A_872, %dma_wait3A_873] : memref<1000000x64xf32, #tpu.memory_space<hbm>> -> memref<1000000x64xf32, #tpu.memory_space<hbm>>
      tpu.wait_indirect_dma semaphore(%arg10 : memref<!tpu.dma_semaphore, #tpu.memory_space<semaphore_mem>>) src(%dma_wait3A_874 : memref<1000000x64xf32, #tpu.memory_space<hbm>>) dst(%dma_wait3A_868 : memref<50x64xf32, #tpu.memory_space<vmem>>)
      %mul3A_875 = arith.constant 4 : i32
      %mul3A_876 = arith.muli %add3A_842, %mul3A_875 : i32
      %add3A_877 = arith.constant 2 : i32
      %add3A_878 = arith.addi %mul3A_876, %add3A_877 : i32
      %dma_wait3A_879 = arith.constant 3 : i32
      %dma_wait3A_880 = arith.constant 2 : i32
      %dma_wait3A_881 = arith.constant 0 : i32
      %dma_wait3A_882 = arith.constant 0 : i32
      %dma_wait3A_883 = tpu.memref_slice %arg6[%dma_wait3A_879, %dma_wait3A_880, %dma_wait3A_881, %dma_wait3A_882] : memref<4x4x50x64xf32, #tpu.memory_space<vmem>> -> memref<1x1x50x64xf32, #tpu.memory_space<vmem>>
      %dma_wait3A_884 = tpu.memref_squeeze %dma_wait3A_883 : memref<1x1x50x64xf32, #tpu.memory_space<vmem>> -> memref<50x64xf32, #tpu.memory_space<vmem>>
      %dma_wait3A_885 = arith.constant 0 : i32
      %dma_wait3A_886 = tpu.memref_slice %arg5[%add3A_878, %dma_wait3A_885] : memref<512x50xi32, #tpu.memory_space<vmem>> -> memref<1x50xi32, #tpu.memory_space<vmem>>
      %dma_wait3A_887 = tpu.memref_squeeze %dma_wait3A_886 : memref<1x50xi32, #tpu.memory_space<vmem>> -> memref<50xi32, #tpu.memory_space<vmem>>
      %dma_wait3A_888 = arith.constant 0 : i32
      %dma_wait3A_889 = arith.constant 0 : i32
      %dma_wait3A_890 = tpu.memref_slice %arg3[%dma_wait3A_888, %dma_wait3A_889] : memref<1000000x64xf32, #tpu.memory_space<hbm>> -> memref<1000000x64xf32, #tpu.memory_space<hbm>>
      tpu.wait_indirect_dma semaphore(%arg10 : memref<!tpu.dma_semaphore, #tpu.memory_space<semaphore_mem>>) src(%dma_wait3A_890 : memref<1000000x64xf32, #tpu.memory_space<hbm>>) dst(%dma_wait3A_884 : memref<50x64xf32, #tpu.memory_space<vmem>>)
      %mul3A_891 = arith.constant 4 : i32
      %mul3A_892 = arith.muli %add3A_842, %mul3A_891 : i32
      %add3A_893 = arith.constant 3 : i32
      %add3A_894 = arith.addi %mul3A_892, %add3A_893 : i32
      %dma_wait3A_895 = arith.constant 3 : i32
      %dma_wait3A_896 = arith.constant 3 : i32
      %dma_wait3A_897 = arith.constant 0 : i32
      %dma_wait3A_898 = arith.constant 0 : i32
      %dma_wait3A_899 = tpu.memref_slice %arg6[%dma_wait3A_895, %dma_wait3A_896, %dma_wait3A_897, %dma_wait3A_898] : memref<4x4x50x64xf32, #tpu.memory_space<vmem>> -> memref<1x1x50x64xf32, #tpu.memory_space<vmem>>
      %dma_wait3A_900 = tpu.memref_squeeze %dma_wait3A_899 : memref<1x1x50x64xf32, #tpu.memory_space<vmem>> -> memref<50x64xf32, #tpu.memory_space<vmem>>
      %dma_wait3A_901 = arith.constant 0 : i32
      %dma_wait3A_902 = tpu.memref_slice %arg5[%add3A_894, %dma_wait3A_901] : memref<512x50xi32, #tpu.memory_space<vmem>> -> memref<1x50xi32, #tpu.memory_space<vmem>>
      %dma_wait3A_903 = tpu.memref_squeeze %dma_wait3A_902 : memref<1x50xi32, #tpu.memory_space<vmem>> -> memref<50xi32, #tpu.memory_space<vmem>>
      %dma_wait3A_904 = arith.constant 0 : i32
      %dma_wait3A_905 = arith.constant 0 : i32
      %dma_wait3A_906 = tpu.memref_slice %arg3[%dma_wait3A_904, %dma_wait3A_905] : memref<1000000x64xf32, #tpu.memory_space<hbm>> -> memref<1000000x64xf32, #tpu.memory_space<hbm>>
      tpu.wait_indirect_dma semaphore(%arg10 : memref<!tpu.dma_semaphore, #tpu.memory_space<semaphore_mem>>) src(%dma_wait3A_906 : memref<1000000x64xf32, #tpu.memory_space<hbm>>) dst(%dma_wait3A_900 : memref<50x64xf32, #tpu.memory_space<vmem>>)
      %mul3A_907 = arith.constant 4 : i32
      %mul3A_908 = arith.muli %add3A_842, %mul3A_907 : i32
      %add3A_909 = arith.addi %mul3A_2, %mul3A_908 : i32
      %dma_start3A_910 = arith.constant 3 : i32
      %dma_start3A_911 = arith.constant 0 : i32
      %dma_start3A_912 = arith.constant 0 : i32
      %dma_start3A_913 = arith.constant 0 : i32
      %dma_start3A_914 = tpu.memref_slice %arg6[%dma_start3A_910, %dma_start3A_911, %dma_start3A_912, %dma_start3A_913] : memref<4x4x50x64xf32, #tpu.memory_space<vmem>> -> memref<1x4x50x64xf32, #tpu.memory_space<vmem>>
      %dma_start3A_915 = tpu.memref_squeeze %dma_start3A_914 : memref<1x4x50x64xf32, #tpu.memory_space<vmem>> -> memref<4x50x64xf32, #tpu.memory_space<vmem>>
      %dma_start3A_916 = arith.constant 0 : i32
      %dma_start3A_917 = arith.constant 0 : i32
      %dma_start3A_918 = tpu.memref_slice %arg4[%add3A_909, %dma_start3A_916, %dma_start3A_917] : memref<16384x50x64xf32, #tpu.memory_space<hbm>> -> memref<4x50x64xf32, #tpu.memory_space<hbm>>
      %dma_start3A_919 = arith.constant 0 : i32
      %dma_start3A_920 = arith.constant 0 : i32
      %dma_start3A_921 = tpu.memref_slice %arg4[%add3A_909, %dma_start3A_919, %dma_start3A_920] : memref<16384x50x64xf32, #tpu.memory_space<hbm>> -> memref<4x50x64xf32, #tpu.memory_space<hbm>>
      %dma_start3A_922 = arith.constant 0 : i32
      %dma_start3A_923 = arith.constant 0 : i32
      %dma_start3A_924 = arith.constant 0 : i32
      %dma_start3A_925 = tpu.memref_slice %arg6[%dma_start3A_910, %dma_start3A_922, %dma_start3A_923, %dma_start3A_924] : memref<4x4x50x64xf32, #tpu.memory_space<vmem>> -> memref<1x4x50x64xf32, #tpu.memory_space<vmem>>
      %dma_start3A_926 = tpu.memref_squeeze %dma_start3A_925 : memref<1x4x50x64xf32, #tpu.memory_space<vmem>> -> memref<4x50x64xf32, #tpu.memory_space<vmem>>
      tpu.enqueue_dma source(%dma_start3A_926 : memref<4x50x64xf32, #tpu.memory_space<vmem>>) target(%dma_start3A_921 : memref<4x50x64xf32, #tpu.memory_space<hbm>>) target_semaphore(%arg14 : memref<!tpu.dma_semaphore, #tpu.memory_space<semaphore_mem>>)
      %mul3A_927 = arith.constant 4 : i32
      %mul3A_928 = arith.muli %scan3A_574, %mul3A_927 : i32
      %add3A_929 = arith.constant 0 : i32
      %add3A_930 = arith.addi %mul3A_928, %add3A_929 : i32
      %mul3A_931 = arith.constant 4 : i32
      %mul3A_932 = arith.muli %add3A_930, %mul3A_931 : i32
      %add3A_933 = arith.addi %mul3A_2, %mul3A_932 : i32
      %dma_wait3A_934 = arith.constant 0 : i32
      %dma_wait3A_935 = arith.constant 0 : i32
      %dma_wait3A_936 = arith.constant 0 : i32
      %dma_wait3A_937 = arith.constant 0 : i32
      %dma_wait3A_938 = tpu.memref_slice %arg6[%dma_wait3A_934, %dma_wait3A_935, %dma_wait3A_936, %dma_wait3A_937] : memref<4x4x50x64xf32, #tpu.memory_space<vmem>> -> memref<1x4x50x64xf32, #tpu.memory_space<vmem>>
      %dma_wait3A_939 = tpu.memref_squeeze %dma_wait3A_938 : memref<1x4x50x64xf32, #tpu.memory_space<vmem>> -> memref<4x50x64xf32, #tpu.memory_space<vmem>>
      %dma_wait3A_940 = arith.constant 0 : i32
      %dma_wait3A_941 = arith.constant 0 : i32
      %dma_wait3A_942 = tpu.memref_slice %arg4[%add3A_933, %dma_wait3A_940, %dma_wait3A_941] : memref<16384x50x64xf32, #tpu.memory_space<hbm>> -> memref<4x50x64xf32, #tpu.memory_space<hbm>>
      %dma_wait3A_943 = arith.constant 0 : i32
      %dma_wait3A_944 = arith.constant 0 : i32
      %dma_wait3A_945 = tpu.memref_slice %arg4[%add3A_933, %dma_wait3A_943, %dma_wait3A_944] : memref<16384x50x64xf32, #tpu.memory_space<hbm>> -> memref<4x50x64xf32, #tpu.memory_space<hbm>>
      %dma_wait3A_946 = arith.constant 0 : i32
      %dma_wait3A_947 = arith.constant 0 : i32
      %dma_wait3A_948 = arith.constant 0 : i32
      %dma_wait3A_949 = tpu.memref_slice %arg6[%dma_wait3A_934, %dma_wait3A_946, %dma_wait3A_947, %dma_wait3A_948] : memref<4x4x50x64xf32, #tpu.memory_space<vmem>> -> memref<1x4x50x64xf32, #tpu.memory_space<vmem>>
      %dma_wait3A_950 = tpu.memref_squeeze %dma_wait3A_949 : memref<1x4x50x64xf32, #tpu.memory_space<vmem>> -> memref<4x50x64xf32, #tpu.memory_space<vmem>>
      tpu.wait_dma2 semaphore(%arg11 : memref<!tpu.dma_semaphore, #tpu.memory_space<semaphore_mem>>) src(%dma_wait3A_950 : memref<4x50x64xf32, #tpu.memory_space<vmem>>) dst(%dma_wait3A_945 : memref<4x50x64xf32, #tpu.memory_space<hbm>>)
      %add3A_951 = arith.constant 4 : i32
      %add3A_952 = arith.addi %add3A_930, %add3A_951 : i32
      %mul3A_953 = arith.constant 4 : i32
      %mul3A_954 = arith.muli %add3A_952, %mul3A_953 : i32
      %add3A_955 = arith.constant 0 : i32
      %add3A_956 = arith.addi %mul3A_954, %add3A_955 : i32
      %dma_start3A_957 = arith.constant 0 : i32
      %dma_start3A_958 = arith.constant 0 : i32
      %dma_start3A_959 = arith.constant 0 : i32
      %dma_start3A_960 = arith.constant 0 : i32
      %dma_start3A_961 = tpu.memref_slice %arg6[%dma_start3A_957, %dma_start3A_958, %dma_start3A_959, %dma_start3A_960] : memref<4x4x50x64xf32, #tpu.memory_space<vmem>> -> memref<1x1x50x64xf32, #tpu.memory_space<vmem>>
      %dma_start3A_962 = tpu.memref_squeeze %dma_start3A_961 : memref<1x1x50x64xf32, #tpu.memory_space<vmem>> -> memref<50x64xf32, #tpu.memory_space<vmem>>
      %dma_start3A_963 = arith.constant 0 : i32
      %dma_start3A_964 = tpu.memref_slice %arg5[%add3A_956, %dma_start3A_963] : memref<512x50xi32, #tpu.memory_space<vmem>> -> memref<1x50xi32, #tpu.memory_space<vmem>>
      %dma_start3A_965 = tpu.memref_squeeze %dma_start3A_964 : memref<1x50xi32, #tpu.memory_space<vmem>> -> memref<50xi32, #tpu.memory_space<vmem>>
      %dma_start3A_966 = arith.constant 0 : i32
      %dma_start3A_967 = arith.constant 0 : i32
      %dma_start3A_968 = tpu.memref_slice %arg3[%dma_start3A_966, %dma_start3A_967] : memref<1000000x64xf32, #tpu.memory_space<hbm>> -> memref<1000000x64xf32, #tpu.memory_space<hbm>>
      tpu.enqueue_indirect_dma source(%dma_start3A_968 : memref<1000000x64xf32, #tpu.memory_space<hbm>>) target(%dma_start3A_962 : memref<50x64xf32, #tpu.memory_space<vmem>>) offsets(%dma_start3A_965 : memref<50xi32, #tpu.memory_space<vmem>>) semaphore(%arg7 : memref<!tpu.dma_semaphore, #tpu.memory_space<semaphore_mem>>)
      %add3A_969 = arith.constant 4 : i32
      %add3A_970 = arith.addi %add3A_930, %add3A_969 : i32
      %mul3A_971 = arith.constant 4 : i32
      %mul3A_972 = arith.muli %add3A_970, %mul3A_971 : i32
      %add3A_973 = arith.constant 1 : i32
      %add3A_974 = arith.addi %mul3A_972, %add3A_973 : i32
      %dma_start3A_975 = arith.constant 0 : i32
      %dma_start3A_976 = arith.constant 1 : i32
      %dma_start3A_977 = arith.constant 0 : i32
      %dma_start3A_978 = arith.constant 0 : i32
      %dma_start3A_979 = tpu.memref_slice %arg6[%dma_start3A_975, %dma_start3A_976, %dma_start3A_977, %dma_start3A_978] : memref<4x4x50x64xf32, #tpu.memory_space<vmem>> -> memref<1x1x50x64xf32, #tpu.memory_space<vmem>>
      %dma_start3A_980 = tpu.memref_squeeze %dma_start3A_979 : memref<1x1x50x64xf32, #tpu.memory_space<vmem>> -> memref<50x64xf32, #tpu.memory_space<vmem>>
      %dma_start3A_981 = arith.constant 0 : i32
      %dma_start3A_982 = tpu.memref_slice %arg5[%add3A_974, %dma_start3A_981] : memref<512x50xi32, #tpu.memory_space<vmem>> -> memref<1x50xi32, #tpu.memory_space<vmem>>
      %dma_start3A_983 = tpu.memref_squeeze %dma_start3A_982 : memref<1x50xi32, #tpu.memory_space<vmem>> -> memref<50xi32, #tpu.memory_space<vmem>>
      %dma_start3A_984 = arith.constant 0 : i32
      %dma_start3A_985 = arith.constant 0 : i32
      %dma_start3A_986 = tpu.memref_slice %arg3[%dma_start3A_984, %dma_start3A_985] : memref<1000000x64xf32, #tpu.memory_space<hbm>> -> memref<1000000x64xf32, #tpu.memory_space<hbm>>
      tpu.enqueue_indirect_dma source(%dma_start3A_986 : memref<1000000x64xf32, #tpu.memory_space<hbm>>) target(%dma_start3A_980 : memref<50x64xf32, #tpu.memory_space<vmem>>) offsets(%dma_start3A_983 : memref<50xi32, #tpu.memory_space<vmem>>) semaphore(%arg7 : memref<!tpu.dma_semaphore, #tpu.memory_space<semaphore_mem>>)
      %add3A_987 = arith.constant 4 : i32
      %add3A_988 = arith.addi %add3A_930, %add3A_987 : i32
      %mul3A_989 = arith.constant 4 : i32
      %mul3A_990 = arith.muli %add3A_988, %mul3A_989 : i32
      %add3A_991 = arith.constant 2 : i32
      %add3A_992 = arith.addi %mul3A_990, %add3A_991 : i32
      %dma_start3A_993 = arith.constant 0 : i32
      %dma_start3A_994 = arith.constant 2 : i32
      %dma_start3A_995 = arith.constant 0 : i32
      %dma_start3A_996 = arith.constant 0 : i32
      %dma_start3A_997 = tpu.memref_slice %arg6[%dma_start3A_993, %dma_start3A_994, %dma_start3A_995, %dma_start3A_996] : memref<4x4x50x64xf32, #tpu.memory_space<vmem>> -> memref<1x1x50x64xf32, #tpu.memory_space<vmem>>
      %dma_start3A_998 = tpu.memref_squeeze %dma_start3A_997 : memref<1x1x50x64xf32, #tpu.memory_space<vmem>> -> memref<50x64xf32, #tpu.memory_space<vmem>>
      %dma_start3A_999 = arith.constant 0 : i32
      %dma_start3A_1000 = tpu.memref_slice %arg5[%add3A_992, %dma_start3A_999] : memref<512x50xi32, #tpu.memory_space<vmem>> -> memref<1x50xi32, #tpu.memory_space<vmem>>
      %dma_start3A_1001 = tpu.memref_squeeze %dma_start3A_1000 : memref<1x50xi32, #tpu.memory_space<vmem>> -> memref<50xi32, #tpu.memory_space<vmem>>
      %dma_start3A_1002 = arith.constant 0 : i32
      %dma_start3A_1003 = arith.constant 0 : i32
      %dma_start3A_1004 = tpu.memref_slice %arg3[%dma_start3A_1002, %dma_start3A_1003] : memref<1000000x64xf32, #tpu.memory_space<hbm>> -> memref<1000000x64xf32, #tpu.memory_space<hbm>>
      tpu.enqueue_indirect_dma source(%dma_start3A_1004 : memref<1000000x64xf32, #tpu.memory_space<hbm>>) target(%dma_start3A_998 : memref<50x64xf32, #tpu.memory_space<vmem>>) offsets(%dma_start3A_1001 : memref<50xi32, #tpu.memory_space<vmem>>) semaphore(%arg7 : memref<!tpu.dma_semaphore, #tpu.memory_space<semaphore_mem>>)
      %add3A_1005 = arith.constant 4 : i32
      %add3A_1006 = arith.addi %add3A_930, %add3A_1005 : i32
      %mul3A_1007 = arith.constant 4 : i32
      %mul3A_1008 = arith.muli %add3A_1006, %mul3A_1007 : i32
      %add3A_1009 = arith.constant 3 : i32
      %add3A_1010 = arith.addi %mul3A_1008, %add3A_1009 : i32
      %dma_start3A_1011 = arith.constant 0 : i32
      %dma_start3A_1012 = arith.constant 3 : i32
      %dma_start3A_1013 = arith.constant 0 : i32
      %dma_start3A_1014 = arith.constant 0 : i32
      %dma_start3A_1015 = tpu.memref_slice %arg6[%dma_start3A_1011, %dma_start3A_1012, %dma_start3A_1013, %dma_start3A_1014] : memref<4x4x50x64xf32, #tpu.memory_space<vmem>> -> memref<1x1x50x64xf32, #tpu.memory_space<vmem>>
      %dma_start3A_1016 = tpu.memref_squeeze %dma_start3A_1015 : memref<1x1x50x64xf32, #tpu.memory_space<vmem>> -> memref<50x64xf32, #tpu.memory_space<vmem>>
      %dma_start3A_1017 = arith.constant 0 : i32
      %dma_start3A_1018 = tpu.memref_slice %arg5[%add3A_1010, %dma_start3A_1017] : memref<512x50xi32, #tpu.memory_space<vmem>> -> memref<1x50xi32, #tpu.memory_space<vmem>>
      %dma_start3A_1019 = tpu.memref_squeeze %dma_start3A_1018 : memref<1x50xi32, #tpu.memory_space<vmem>> -> memref<50xi32, #tpu.memory_space<vmem>>
      %dma_start3A_1020 = arith.constant 0 : i32
      %dma_start3A_1021 = arith.constant 0 : i32
      %dma_start3A_1022 = tpu.memref_slice %arg3[%dma_start3A_1020, %dma_start3A_1021] : memref<1000000x64xf32, #tpu.memory_space<hbm>> -> memref<1000000x64xf32, #tpu.memory_space<hbm>>
      tpu.enqueue_indirect_dma source(%dma_start3A_1022 : memref<1000000x64xf32, #tpu.memory_space<hbm>>) target(%dma_start3A_1016 : memref<50x64xf32, #tpu.memory_space<vmem>>) offsets(%dma_start3A_1019 : memref<50xi32, #tpu.memory_space<vmem>>) semaphore(%arg7 : memref<!tpu.dma_semaphore, #tpu.memory_space<semaphore_mem>>)
      %mul3A_1023 = arith.constant 4 : i32
      %mul3A_1024 = arith.muli %scan3A_574, %mul3A_1023 : i32
      %add3A_1025 = arith.constant 1 : i32
      %add3A_1026 = arith.addi %mul3A_1024, %add3A_1025 : i32
      %mul3A_1027 = arith.constant 4 : i32
      %mul3A_1028 = arith.muli %add3A_1026, %mul3A_1027 : i32
      %add3A_1029 = arith.addi %mul3A_2, %mul3A_1028 : i32
      %dma_wait3A_1030 = arith.constant 1 : i32
      %dma_wait3A_1031 = arith.constant 0 : i32
      %dma_wait3A_1032 = arith.constant 0 : i32
      %dma_wait3A_1033 = arith.constant 0 : i32
      %dma_wait3A_1034 = tpu.memref_slice %arg6[%dma_wait3A_1030, %dma_wait3A_1031, %dma_wait3A_1032, %dma_wait3A_1033] : memref<4x4x50x64xf32, #tpu.memory_space<vmem>> -> memref<1x4x50x64xf32, #tpu.memory_space<vmem>>
      %dma_wait3A_1035 = tpu.memref_squeeze %dma_wait3A_1034 : memref<1x4x50x64xf32, #tpu.memory_space<vmem>> -> memref<4x50x64xf32, #tpu.memory_space<vmem>>
      %dma_wait3A_1036 = arith.constant 0 : i32
      %dma_wait3A_1037 = arith.constant 0 : i32
      %dma_wait3A_1038 = tpu.memref_slice %arg4[%add3A_1029, %dma_wait3A_1036, %dma_wait3A_1037] : memref<16384x50x64xf32, #tpu.memory_space<hbm>> -> memref<4x50x64xf32, #tpu.memory_space<hbm>>
      %dma_wait3A_1039 = arith.constant 0 : i32
      %dma_wait3A_1040 = arith.constant 0 : i32
      %dma_wait3A_1041 = tpu.memref_slice %arg4[%add3A_1029, %dma_wait3A_1039, %dma_wait3A_1040] : memref<16384x50x64xf32, #tpu.memory_space<hbm>> -> memref<4x50x64xf32, #tpu.memory_space<hbm>>
      %dma_wait3A_1042 = arith.constant 0 : i32
      %dma_wait3A_1043 = arith.constant 0 : i32
      %dma_wait3A_1044 = arith.constant 0 : i32
      %dma_wait3A_1045 = tpu.memref_slice %arg6[%dma_wait3A_1030, %dma_wait3A_1042, %dma_wait3A_1043, %dma_wait3A_1044] : memref<4x4x50x64xf32, #tpu.memory_space<vmem>> -> memref<1x4x50x64xf32, #tpu.memory_space<vmem>>
      %dma_wait3A_1046 = tpu.memref_squeeze %dma_wait3A_1045 : memref<1x4x50x64xf32, #tpu.memory_space<vmem>> -> memref<4x50x64xf32, #tpu.memory_space<vmem>>
      tpu.wait_dma2 semaphore(%arg12 : memref<!tpu.dma_semaphore, #tpu.memory_space<semaphore_mem>>) src(%dma_wait3A_1046 : memref<4x50x64xf32, #tpu.memory_space<vmem>>) dst(%dma_wait3A_1041 : memref<4x50x64xf32, #tpu.memory_space<hbm>>)
      %add3A_1047 = arith.constant 4 : i32
      %add3A_1048 = arith.addi %add3A_1026, %add3A_1047 : i32
      %mul3A_1049 = arith.constant 4 : i32
      %mul3A_1050 = arith.muli %add3A_1048, %mul3A_1049 : i32
      %add3A_1051 = arith.constant 0 : i32
      %add3A_1052 = arith.addi %mul3A_1050, %add3A_1051 : i32
      %dma_start3A_1053 = arith.constant 1 : i32
      %dma_start3A_1054 = arith.constant 0 : i32
      %dma_start3A_1055 = arith.constant 0 : i32
      %dma_start3A_1056 = arith.constant 0 : i32
      %dma_start3A_1057 = tpu.memref_slice %arg6[%dma_start3A_1053, %dma_start3A_1054, %dma_start3A_1055, %dma_start3A_1056] : memref<4x4x50x64xf32, #tpu.memory_space<vmem>> -> memref<1x1x50x64xf32, #tpu.memory_space<vmem>>
      %dma_start3A_1058 = tpu.memref_squeeze %dma_start3A_1057 : memref<1x1x50x64xf32, #tpu.memory_space<vmem>> -> memref<50x64xf32, #tpu.memory_space<vmem>>
      %dma_start3A_1059 = arith.constant 0 : i32
      %dma_start3A_1060 = tpu.memref_slice %arg5[%add3A_1052, %dma_start3A_1059] : memref<512x50xi32, #tpu.memory_space<vmem>> -> memref<1x50xi32, #tpu.memory_space<vmem>>
      %dma_start3A_1061 = tpu.memref_squeeze %dma_start3A_1060 : memref<1x50xi32, #tpu.memory_space<vmem>> -> memref<50xi32, #tpu.memory_space<vmem>>
      %dma_start3A_1062 = arith.constant 0 : i32
      %dma_start3A_1063 = arith.constant 0 : i32
      %dma_start3A_1064 = tpu.memref_slice %arg3[%dma_start3A_1062, %dma_start3A_1063] : memref<1000000x64xf32, #tpu.memory_space<hbm>> -> memref<1000000x64xf32, #tpu.memory_space<hbm>>
      tpu.enqueue_indirect_dma source(%dma_start3A_1064 : memref<1000000x64xf32, #tpu.memory_space<hbm>>) target(%dma_start3A_1058 : memref<50x64xf32, #tpu.memory_space<vmem>>) offsets(%dma_start3A_1061 : memref<50xi32, #tpu.memory_space<vmem>>) semaphore(%arg8 : memref<!tpu.dma_semaphore, #tpu.memory_space<semaphore_mem>>)
      %add3A_1065 = arith.constant 4 : i32
      %add3A_1066 = arith.addi %add3A_1026, %add3A_1065 : i32
      %mul3A_1067 = arith.constant 4 : i32
      %mul3A_1068 = arith.muli %add3A_1066, %mul3A_1067 : i32
      %add3A_1069 = arith.constant 1 : i32
      %add3A_1070 = arith.addi %mul3A_1068, %add3A_1069 : i32
      %dma_start3A_1071 = arith.constant 1 : i32
      %dma_start3A_1072 = arith.constant 1 : i32
      %dma_start3A_1073 = arith.constant 0 : i32
      %dma_start3A_1074 = arith.constant 0 : i32
      %dma_start3A_1075 = tpu.memref_slice %arg6[%dma_start3A_1071, %dma_start3A_1072, %dma_start3A_1073, %dma_start3A_1074] : memref<4x4x50x64xf32, #tpu.memory_space<vmem>> -> memref<1x1x50x64xf32, #tpu.memory_space<vmem>>
      %dma_start3A_1076 = tpu.memref_squeeze %dma_start3A_1075 : memref<1x1x50x64xf32, #tpu.memory_space<vmem>> -> memref<50x64xf32, #tpu.memory_space<vmem>>
      %dma_start3A_1077 = arith.constant 0 : i32
      %dma_start3A_1078 = tpu.memref_slice %arg5[%add3A_1070, %dma_start3A_1077] : memref<512x50xi32, #tpu.memory_space<vmem>> -> memref<1x50xi32, #tpu.memory_space<vmem>>
      %dma_start3A_1079 = tpu.memref_squeeze %dma_start3A_1078 : memref<1x50xi32, #tpu.memory_space<vmem>> -> memref<50xi32, #tpu.memory_space<vmem>>
      %dma_start3A_1080 = arith.constant 0 : i32
      %dma_start3A_1081 = arith.constant 0 : i32
      %dma_start3A_1082 = tpu.memref_slice %arg3[%dma_start3A_1080, %dma_start3A_1081] : memref<1000000x64xf32, #tpu.memory_space<hbm>> -> memref<1000000x64xf32, #tpu.memory_space<hbm>>
      tpu.enqueue_indirect_dma source(%dma_start3A_1082 : memref<1000000x64xf32, #tpu.memory_space<hbm>>) target(%dma_start3A_1076 : memref<50x64xf32, #tpu.memory_space<vmem>>) offsets(%dma_start3A_1079 : memref<50xi32, #tpu.memory_space<vmem>>) semaphore(%arg8 : memref<!tpu.dma_semaphore, #tpu.memory_space<semaphore_mem>>)
      %add3A_1083 = arith.constant 4 : i32
      %add3A_1084 = arith.addi %add3A_1026, %add3A_1083 : i32
      %mul3A_1085 = arith.constant 4 : i32
      %mul3A_1086 = arith.muli %add3A_1084, %mul3A_1085 : i32
      %add3A_1087 = arith.constant 2 : i32
      %add3A_1088 = arith.addi %mul3A_1086, %add3A_1087 : i32
      %dma_start3A_1089 = arith.constant 1 : i32
      %dma_start3A_1090 = arith.constant 2 : i32
      %dma_start3A_1091 = arith.constant 0 : i32
      %dma_start3A_1092 = arith.constant 0 : i32
      %dma_start3A_1093 = tpu.memref_slice %arg6[%dma_start3A_1089, %dma_start3A_1090, %dma_start3A_1091, %dma_start3A_1092] : memref<4x4x50x64xf32, #tpu.memory_space<vmem>> -> memref<1x1x50x64xf32, #tpu.memory_space<vmem>>
      %dma_start3A_1094 = tpu.memref_squeeze %dma_start3A_1093 : memref<1x1x50x64xf32, #tpu.memory_space<vmem>> -> memref<50x64xf32, #tpu.memory_space<vmem>>
      %dma_start3A_1095 = arith.constant 0 : i32
      %dma_start3A_1096 = tpu.memref_slice %arg5[%add3A_1088, %dma_start3A_1095] : memref<512x50xi32, #tpu.memory_space<vmem>> -> memref<1x50xi32, #tpu.memory_space<vmem>>
      %dma_start3A_1097 = tpu.memref_squeeze %dma_start3A_1096 : memref<1x50xi32, #tpu.memory_space<vmem>> -> memref<50xi32, #tpu.memory_space<vmem>>
      %dma_start3A_1098 = arith.constant 0 : i32
      %dma_start3A_1099 = arith.constant 0 : i32
      %dma_start3A_1100 = tpu.memref_slice %arg3[%dma_start3A_1098, %dma_start3A_1099] : memref<1000000x64xf32, #tpu.memory_space<hbm>> -> memref<1000000x64xf32, #tpu.memory_space<hbm>>
      tpu.enqueue_indirect_dma source(%dma_start3A_1100 : memref<1000000x64xf32, #tpu.memory_space<hbm>>) target(%dma_start3A_1094 : memref<50x64xf32, #tpu.memory_space<vmem>>) offsets(%dma_start3A_1097 : memref<50xi32, #tpu.memory_space<vmem>>) semaphore(%arg8 : memref<!tpu.dma_semaphore, #tpu.memory_space<semaphore_mem>>)
      %add3A_1101 = arith.constant 4 : i32
      %add3A_1102 = arith.addi %add3A_1026, %add3A_1101 : i32
      %mul3A_1103 = arith.constant 4 : i32
      %mul3A_1104 = arith.muli %add3A_1102, %mul3A_1103 : i32
      %add3A_1105 = arith.constant 3 : i32
      %add3A_1106 = arith.addi %mul3A_1104, %add3A_1105 : i32
      %dma_start3A_1107 = arith.constant 1 : i32
      %dma_start3A_1108 = arith.constant 3 : i32
      %dma_start3A_1109 = arith.constant 0 : i32
      %dma_start3A_1110 = arith.constant 0 : i32
      %dma_start3A_1111 = tpu.memref_slice %arg6[%dma_start3A_1107, %dma_start3A_1108, %dma_start3A_1109, %dma_start3A_1110] : memref<4x4x50x64xf32, #tpu.memory_space<vmem>> -> memref<1x1x50x64xf32, #tpu.memory_space<vmem>>
      %dma_start3A_1112 = tpu.memref_squeeze %dma_start3A_1111 : memref<1x1x50x64xf32, #tpu.memory_space<vmem>> -> memref<50x64xf32, #tpu.memory_space<vmem>>
      %dma_start3A_1113 = arith.constant 0 : i32
      %dma_start3A_1114 = tpu.memref_slice %arg5[%add3A_1106, %dma_start3A_1113] : memref<512x50xi32, #tpu.memory_space<vmem>> -> memref<1x50xi32, #tpu.memory_space<vmem>>
      %dma_start3A_1115 = tpu.memref_squeeze %dma_start3A_1114 : memref<1x50xi32, #tpu.memory_space<vmem>> -> memref<50xi32, #tpu.memory_space<vmem>>
      %dma_start3A_1116 = arith.constant 0 : i32
      %dma_start3A_1117 = arith.constant 0 : i32
      %dma_start3A_1118 = tpu.memref_slice %arg3[%dma_start3A_1116, %dma_start3A_1117] : memref<1000000x64xf32, #tpu.memory_space<hbm>> -> memref<1000000x64xf32, #tpu.memory_space<hbm>>
      tpu.enqueue_indirect_dma source(%dma_start3A_1118 : memref<1000000x64xf32, #tpu.memory_space<hbm>>) target(%dma_start3A_1112 : memref<50x64xf32, #tpu.memory_space<vmem>>) offsets(%dma_start3A_1115 : memref<50xi32, #tpu.memory_space<vmem>>) semaphore(%arg8 : memref<!tpu.dma_semaphore, #tpu.memory_space<semaphore_mem>>)
      %mul3A_1119 = arith.constant 4 : i32
      %mul3A_1120 = arith.muli %scan3A_574, %mul3A_1119 : i32
      %add3A_1121 = arith.constant 2 : i32
      %add3A_1122 = arith.addi %mul3A_1120, %add3A_1121 : i32
      %mul3A_1123 = arith.constant 4 : i32
      %mul3A_1124 = arith.muli %add3A_1122, %mul3A_1123 : i32
      %add3A_1125 = arith.addi %mul3A_2, %mul3A_1124 : i32
      %dma_wait3A_1126 = arith.constant 2 : i32
      %dma_wait3A_1127 = arith.constant 0 : i32
      %dma_wait3A_1128 = arith.constant 0 : i32
      %dma_wait3A_1129 = arith.constant 0 : i32
      %dma_wait3A_1130 = tpu.memref_slice %arg6[%dma_wait3A_1126, %dma_wait3A_1127, %dma_wait3A_1128, %dma_wait3A_1129] : memref<4x4x50x64xf32, #tpu.memory_space<vmem>> -> memref<1x4x50x64xf32, #tpu.memory_space<vmem>>
      %dma_wait3A_1131 = tpu.memref_squeeze %dma_wait3A_1130 : memref<1x4x50x64xf32, #tpu.memory_space<vmem>> -> memref<4x50x64xf32, #tpu.memory_space<vmem>>
      %dma_wait3A_1132 = arith.constant 0 : i32
      %dma_wait3A_1133 = arith.constant 0 : i32
      %dma_wait3A_1134 = tpu.memref_slice %arg4[%add3A_1125, %dma_wait3A_1132, %dma_wait3A_1133] : memref<16384x50x64xf32, #tpu.memory_space<hbm>> -> memref<4x50x64xf32, #tpu.memory_space<hbm>>
      %dma_wait3A_1135 = arith.constant 0 : i32
      %dma_wait3A_1136 = arith.constant 0 : i32
      %dma_wait3A_1137 = tpu.memref_slice %arg4[%add3A_1125, %dma_wait3A_1135, %dma_wait3A_1136] : memref<16384x50x64xf32, #tpu.memory_space<hbm>> -> memref<4x50x64xf32, #tpu.memory_space<hbm>>
      %dma_wait3A_1138 = arith.constant 0 : i32
      %dma_wait3A_1139 = arith.constant 0 : i32
      %dma_wait3A_1140 = arith.constant 0 : i32
      %dma_wait3A_1141 = tpu.memref_slice %arg6[%dma_wait3A_1126, %dma_wait3A_1138, %dma_wait3A_1139, %dma_wait3A_1140] : memref<4x4x50x64xf32, #tpu.memory_space<vmem>> -> memref<1x4x50x64xf32, #tpu.memory_space<vmem>>
      %dma_wait3A_1142 = tpu.memref_squeeze %dma_wait3A_1141 : memref<1x4x50x64xf32, #tpu.memory_space<vmem>> -> memref<4x50x64xf32, #tpu.memory_space<vmem>>
      tpu.wait_dma2 semaphore(%arg13 : memref<!tpu.dma_semaphore, #tpu.memory_space<semaphore_mem>>) src(%dma_wait3A_1142 : memref<4x50x64xf32, #tpu.memory_space<vmem>>) dst(%dma_wait3A_1137 : memref<4x50x64xf32, #tpu.memory_space<hbm>>)
      %add3A_1143 = arith.constant 4 : i32
      %add3A_1144 = arith.addi %add3A_1122, %add3A_1143 : i32
      %mul3A_1145 = arith.constant 4 : i32
      %mul3A_1146 = arith.muli %add3A_1144, %mul3A_1145 : i32
      %add3A_1147 = arith.constant 0 : i32
      %add3A_1148 = arith.addi %mul3A_1146, %add3A_1147 : i32
      %dma_start3A_1149 = arith.constant 2 : i32
      %dma_start3A_1150 = arith.constant 0 : i32
      %dma_start3A_1151 = arith.constant 0 : i32
      %dma_start3A_1152 = arith.constant 0 : i32
      %dma_start3A_1153 = tpu.memref_slice %arg6[%dma_start3A_1149, %dma_start3A_1150, %dma_start3A_1151, %dma_start3A_1152] : memref<4x4x50x64xf32, #tpu.memory_space<vmem>> -> memref<1x1x50x64xf32, #tpu.memory_space<vmem>>
      %dma_start3A_1154 = tpu.memref_squeeze %dma_start3A_1153 : memref<1x1x50x64xf32, #tpu.memory_space<vmem>> -> memref<50x64xf32, #tpu.memory_space<vmem>>
      %dma_start3A_1155 = arith.constant 0 : i32
      %dma_start3A_1156 = tpu.memref_slice %arg5[%add3A_1148, %dma_start3A_1155] : memref<512x50xi32, #tpu.memory_space<vmem>> -> memref<1x50xi32, #tpu.memory_space<vmem>>
      %dma_start3A_1157 = tpu.memref_squeeze %dma_start3A_1156 : memref<1x50xi32, #tpu.memory_space<vmem>> -> memref<50xi32, #tpu.memory_space<vmem>>
      %dma_start3A_1158 = arith.constant 0 : i32
      %dma_start3A_1159 = arith.constant 0 : i32
      %dma_start3A_1160 = tpu.memref_slice %arg3[%dma_start3A_1158, %dma_start3A_1159] : memref<1000000x64xf32, #tpu.memory_space<hbm>> -> memref<1000000x64xf32, #tpu.memory_space<hbm>>
      tpu.enqueue_indirect_dma source(%dma_start3A_1160 : memref<1000000x64xf32, #tpu.memory_space<hbm>>) target(%dma_start3A_1154 : memref<50x64xf32, #tpu.memory_space<vmem>>) offsets(%dma_start3A_1157 : memref<50xi32, #tpu.memory_space<vmem>>) semaphore(%arg9 : memref<!tpu.dma_semaphore, #tpu.memory_space<semaphore_mem>>)
      %add3A_1161 = arith.constant 4 : i32
      %add3A_1162 = arith.addi %add3A_1122, %add3A_1161 : i32
      %mul3A_1163 = arith.constant 4 : i32
      %mul3A_1164 = arith.muli %add3A_1162, %mul3A_1163 : i32
      %add3A_1165 = arith.constant 1 : i32
      %add3A_1166 = arith.addi %mul3A_1164, %add3A_1165 : i32
      %dma_start3A_1167 = arith.constant 2 : i32
      %dma_start3A_1168 = arith.constant 1 : i32
      %dma_start3A_1169 = arith.constant 0 : i32
      %dma_start3A_1170 = arith.constant 0 : i32
      %dma_start3A_1171 = tpu.memref_slice %arg6[%dma_start3A_1167, %dma_start3A_1168, %dma_start3A_1169, %dma_start3A_1170] : memref<4x4x50x64xf32, #tpu.memory_space<vmem>> -> memref<1x1x50x64xf32, #tpu.memory_space<vmem>>
      %dma_start3A_1172 = tpu.memref_squeeze %dma_start3A_1171 : memref<1x1x50x64xf32, #tpu.memory_space<vmem>> -> memref<50x64xf32, #tpu.memory_space<vmem>>
      %dma_start3A_1173 = arith.constant 0 : i32
      %dma_start3A_1174 = tpu.memref_slice %arg5[%add3A_1166, %dma_start3A_1173] : memref<512x50xi32, #tpu.memory_space<vmem>> -> memref<1x50xi32, #tpu.memory_space<vmem>>
      %dma_start3A_1175 = tpu.memref_squeeze %dma_start3A_1174 : memref<1x50xi32, #tpu.memory_space<vmem>> -> memref<50xi32, #tpu.memory_space<vmem>>
      %dma_start3A_1176 = arith.constant 0 : i32
      %dma_start3A_1177 = arith.constant 0 : i32
      %dma_start3A_1178 = tpu.memref_slice %arg3[%dma_start3A_1176, %dma_start3A_1177] : memref<1000000x64xf32, #tpu.memory_space<hbm>> -> memref<1000000x64xf32, #tpu.memory_space<hbm>>
      tpu.enqueue_indirect_dma source(%dma_start3A_1178 : memref<1000000x64xf32, #tpu.memory_space<hbm>>) target(%dma_start3A_1172 : memref<50x64xf32, #tpu.memory_space<vmem>>) offsets(%dma_start3A_1175 : memref<50xi32, #tpu.memory_space<vmem>>) semaphore(%arg9 : memref<!tpu.dma_semaphore, #tpu.memory_space<semaphore_mem>>)
      %add3A_1179 = arith.constant 4 : i32
      %add3A_1180 = arith.addi %add3A_1122, %add3A_1179 : i32
      %mul3A_1181 = arith.constant 4 : i32
      %mul3A_1182 = arith.muli %add3A_1180, %mul3A_1181 : i32
      %add3A_1183 = arith.constant 2 : i32
      %add3A_1184 = arith.addi %mul3A_1182, %add3A_1183 : i32
      %dma_start3A_1185 = arith.constant 2 : i32
      %dma_start3A_1186 = arith.constant 2 : i32
      %dma_start3A_1187 = arith.constant 0 : i32
      %dma_start3A_1188 = arith.constant 0 : i32
      %dma_start3A_1189 = tpu.memref_slice %arg6[%dma_start3A_1185, %dma_start3A_1186, %dma_start3A_1187, %dma_start3A_1188] : memref<4x4x50x64xf32, #tpu.memory_space<vmem>> -> memref<1x1x50x64xf32, #tpu.memory_space<vmem>>
      %dma_start3A_1190 = tpu.memref_squeeze %dma_start3A_1189 : memref<1x1x50x64xf32, #tpu.memory_space<vmem>> -> memref<50x64xf32, #tpu.memory_space<vmem>>
      %dma_start3A_1191 = arith.constant 0 : i32
      %dma_start3A_1192 = tpu.memref_slice %arg5[%add3A_1184, %dma_start3A_1191] : memref<512x50xi32, #tpu.memory_space<vmem>> -> memref<1x50xi32, #tpu.memory_space<vmem>>
      %dma_start3A_1193 = tpu.memref_squeeze %dma_start3A_1192 : memref<1x50xi32, #tpu.memory_space<vmem>> -> memref<50xi32, #tpu.memory_space<vmem>>
      %dma_start3A_1194 = arith.constant 0 : i32
      %dma_start3A_1195 = arith.constant 0 : i32
      %dma_start3A_1196 = tpu.memref_slice %arg3[%dma_start3A_1194, %dma_start3A_1195] : memref<1000000x64xf32, #tpu.memory_space<hbm>> -> memref<1000000x64xf32, #tpu.memory_space<hbm>>
      tpu.enqueue_indirect_dma source(%dma_start3A_1196 : memref<1000000x64xf32, #tpu.memory_space<hbm>>) target(%dma_start3A_1190 : memref<50x64xf32, #tpu.memory_space<vmem>>) offsets(%dma_start3A_1193 : memref<50xi32, #tpu.memory_space<vmem>>) semaphore(%arg9 : memref<!tpu.dma_semaphore, #tpu.memory_space<semaphore_mem>>)
      %add3A_1197 = arith.constant 4 : i32
      %add3A_1198 = arith.addi %add3A_1122, %add3A_1197 : i32
      %mul3A_1199 = arith.constant 4 : i32
      %mul3A_1200 = arith.muli %add3A_1198, %mul3A_1199 : i32
      %add3A_1201 = arith.constant 3 : i32
      %add3A_1202 = arith.addi %mul3A_1200, %add3A_1201 : i32
      %dma_start3A_1203 = arith.constant 2 : i32
      %dma_start3A_1204 = arith.constant 3 : i32
      %dma_start3A_1205 = arith.constant 0 : i32
      %dma_start3A_1206 = arith.constant 0 : i32
      %dma_start3A_1207 = tpu.memref_slice %arg6[%dma_start3A_1203, %dma_start3A_1204, %dma_start3A_1205, %dma_start3A_1206] : memref<4x4x50x64xf32, #tpu.memory_space<vmem>> -> memref<1x1x50x64xf32, #tpu.memory_space<vmem>>
      %dma_start3A_1208 = tpu.memref_squeeze %dma_start3A_1207 : memref<1x1x50x64xf32, #tpu.memory_space<vmem>> -> memref<50x64xf32, #tpu.memory_space<vmem>>
      %dma_start3A_1209 = arith.constant 0 : i32
      %dma_start3A_1210 = tpu.memref_slice %arg5[%add3A_1202, %dma_start3A_1209] : memref<512x50xi32, #tpu.memory_space<vmem>> -> memref<1x50xi32, #tpu.memory_space<vmem>>
      %dma_start3A_1211 = tpu.memref_squeeze %dma_start3A_1210 : memref<1x50xi32, #tpu.memory_space<vmem>> -> memref<50xi32, #tpu.memory_space<vmem>>
      %dma_start3A_1212 = arith.constant 0 : i32
      %dma_start3A_1213 = arith.constant 0 : i32
      %dma_start3A_1214 = tpu.memref_slice %arg3[%dma_start3A_1212, %dma_start3A_1213] : memref<1000000x64xf32, #tpu.memory_space<hbm>> -> memref<1000000x64xf32, #tpu.memory_space<hbm>>
      tpu.enqueue_indirect_dma source(%dma_start3A_1214 : memref<1000000x64xf32, #tpu.memory_space<hbm>>) target(%dma_start3A_1208 : memref<50x64xf32, #tpu.memory_space<vmem>>) offsets(%dma_start3A_1211 : memref<50xi32, #tpu.memory_space<vmem>>) semaphore(%arg9 : memref<!tpu.dma_semaphore, #tpu.memory_space<semaphore_mem>>)
      %mul3A_1215 = arith.constant 4 : i32
      %mul3A_1216 = arith.muli %scan3A_574, %mul3A_1215 : i32
      %add3A_1217 = arith.constant 3 : i32
      %add3A_1218 = arith.addi %mul3A_1216, %add3A_1217 : i32
      %mul3A_1219 = arith.constant 4 : i32
      %mul3A_1220 = arith.muli %add3A_1218, %mul3A_1219 : i32
      %add3A_1221 = arith.addi %mul3A_2, %mul3A_1220 : i32
      %dma_wait3A_1222 = arith.constant 3 : i32
      %dma_wait3A_1223 = arith.constant 0 : i32
      %dma_wait3A_1224 = arith.constant 0 : i32
      %dma_wait3A_1225 = arith.constant 0 : i32
      %dma_wait3A_1226 = tpu.memref_slice %arg6[%dma_wait3A_1222, %dma_wait3A_1223, %dma_wait3A_1224, %dma_wait3A_1225] : memref<4x4x50x64xf32, #tpu.memory_space<vmem>> -> memref<1x4x50x64xf32, #tpu.memory_space<vmem>>
      %dma_wait3A_1227 = tpu.memref_squeeze %dma_wait3A_1226 : memref<1x4x50x64xf32, #tpu.memory_space<vmem>> -> memref<4x50x64xf32, #tpu.memory_space<vmem>>
      %dma_wait3A_1228 = arith.constant 0 : i32
      %dma_wait3A_1229 = arith.constant 0 : i32
      %dma_wait3A_1230 = tpu.memref_slice %arg4[%add3A_1221, %dma_wait3A_1228, %dma_wait3A_1229] : memref<16384x50x64xf32, #tpu.memory_space<hbm>> -> memref<4x50x64xf32, #tpu.memory_space<hbm>>
      %dma_wait3A_1231 = arith.constant 0 : i32
      %dma_wait3A_1232 = arith.constant 0 : i32
      %dma_wait3A_1233 = tpu.memref_slice %arg4[%add3A_1221, %dma_wait3A_1231, %dma_wait3A_1232] : memref<16384x50x64xf32, #tpu.memory_space<hbm>> -> memref<4x50x64xf32, #tpu.memory_space<hbm>>
      %dma_wait3A_1234 = arith.constant 0 : i32
      %dma_wait3A_1235 = arith.constant 0 : i32
      %dma_wait3A_1236 = arith.constant 0 : i32
      %dma_wait3A_1237 = tpu.memref_slice %arg6[%dma_wait3A_1222, %dma_wait3A_1234, %dma_wait3A_1235, %dma_wait3A_1236] : memref<4x4x50x64xf32, #tpu.memory_space<vmem>> -> memref<1x4x50x64xf32, #tpu.memory_space<vmem>>
      %dma_wait3A_1238 = tpu.memref_squeeze %dma_wait3A_1237 : memref<1x4x50x64xf32, #tpu.memory_space<vmem>> -> memref<4x50x64xf32, #tpu.memory_space<vmem>>
      tpu.wait_dma2 semaphore(%arg14 : memref<!tpu.dma_semaphore, #tpu.memory_space<semaphore_mem>>) src(%dma_wait3A_1238 : memref<4x50x64xf32, #tpu.memory_space<vmem>>) dst(%dma_wait3A_1233 : memref<4x50x64xf32, #tpu.memory_space<hbm>>)
      %add3A_1239 = arith.constant 4 : i32
      %add3A_1240 = arith.addi %add3A_1218, %add3A_1239 : i32
      %mul3A_1241 = arith.constant 4 : i32
      %mul3A_1242 = arith.muli %add3A_1240, %mul3A_1241 : i32
      %add3A_1243 = arith.constant 0 : i32
      %add3A_1244 = arith.addi %mul3A_1242, %add3A_1243 : i32
      %dma_start3A_1245 = arith.constant 3 : i32
      %dma_start3A_1246 = arith.constant 0 : i32
      %dma_start3A_1247 = arith.constant 0 : i32
      %dma_start3A_1248 = arith.constant 0 : i32
      %dma_start3A_1249 = tpu.memref_slice %arg6[%dma_start3A_1245, %dma_start3A_1246, %dma_start3A_1247, %dma_start3A_1248] : memref<4x4x50x64xf32, #tpu.memory_space<vmem>> -> memref<1x1x50x64xf32, #tpu.memory_space<vmem>>
      %dma_start3A_1250 = tpu.memref_squeeze %dma_start3A_1249 : memref<1x1x50x64xf32, #tpu.memory_space<vmem>> -> memref<50x64xf32, #tpu.memory_space<vmem>>
      %dma_start3A_1251 = arith.constant 0 : i32
      %dma_start3A_1252 = tpu.memref_slice %arg5[%add3A_1244, %dma_start3A_1251] : memref<512x50xi32, #tpu.memory_space<vmem>> -> memref<1x50xi32, #tpu.memory_space<vmem>>
      %dma_start3A_1253 = tpu.memref_squeeze %dma_start3A_1252 : memref<1x50xi32, #tpu.memory_space<vmem>> -> memref<50xi32, #tpu.memory_space<vmem>>
      %dma_start3A_1254 = arith.constant 0 : i32
      %dma_start3A_1255 = arith.constant 0 : i32
      %dma_start3A_1256 = tpu.memref_slice %arg3[%dma_start3A_1254, %dma_start3A_1255] : memref<1000000x64xf32, #tpu.memory_space<hbm>> -> memref<1000000x64xf32, #tpu.memory_space<hbm>>
      tpu.enqueue_indirect_dma source(%dma_start3A_1256 : memref<1000000x64xf32, #tpu.memory_space<hbm>>) target(%dma_start3A_1250 : memref<50x64xf32, #tpu.memory_space<vmem>>) offsets(%dma_start3A_1253 : memref<50xi32, #tpu.memory_space<vmem>>) semaphore(%arg10 : memref<!tpu.dma_semaphore, #tpu.memory_space<semaphore_mem>>)
      %add3A_1257 = arith.constant 4 : i32
      %add3A_1258 = arith.addi %add3A_1218, %add3A_1257 : i32
      %mul3A_1259 = arith.constant 4 : i32
      %mul3A_1260 = arith.muli %add3A_1258, %mul3A_1259 : i32
      %add3A_1261 = arith.constant 1 : i32
      %add3A_1262 = arith.addi %mul3A_1260, %add3A_1261 : i32
      %dma_start3A_1263 = arith.constant 3 : i32
      %dma_start3A_1264 = arith.constant 1 : i32
      %dma_start3A_1265 = arith.constant 0 : i32
      %dma_start3A_1266 = arith.constant 0 : i32
      %dma_start3A_1267 = tpu.memref_slice %arg6[%dma_start3A_1263, %dma_start3A_1264, %dma_start3A_1265, %dma_start3A_1266] : memref<4x4x50x64xf32, #tpu.memory_space<vmem>> -> memref<1x1x50x64xf32, #tpu.memory_space<vmem>>
      %dma_start3A_1268 = tpu.memref_squeeze %dma_start3A_1267 : memref<1x1x50x64xf32, #tpu.memory_space<vmem>> -> memref<50x64xf32, #tpu.memory_space<vmem>>
      %dma_start3A_1269 = arith.constant 0 : i32
      %dma_start3A_1270 = tpu.memref_slice %arg5[%add3A_1262, %dma_start3A_1269] : memref<512x50xi32, #tpu.memory_space<vmem>> -> memref<1x50xi32, #tpu.memory_space<vmem>>
      %dma_start3A_1271 = tpu.memref_squeeze %dma_start3A_1270 : memref<1x50xi32, #tpu.memory_space<vmem>> -> memref<50xi32, #tpu.memory_space<vmem>>
      %dma_start3A_1272 = arith.constant 0 : i32
      %dma_start3A_1273 = arith.constant 0 : i32
      %dma_start3A_1274 = tpu.memref_slice %arg3[%dma_start3A_1272, %dma_start3A_1273] : memref<1000000x64xf32, #tpu.memory_space<hbm>> -> memref<1000000x64xf32, #tpu.memory_space<hbm>>
      tpu.enqueue_indirect_dma source(%dma_start3A_1274 : memref<1000000x64xf32, #tpu.memory_space<hbm>>) target(%dma_start3A_1268 : memref<50x64xf32, #tpu.memory_space<vmem>>) offsets(%dma_start3A_1271 : memref<50xi32, #tpu.memory_space<vmem>>) semaphore(%arg10 : memref<!tpu.dma_semaphore, #tpu.memory_space<semaphore_mem>>)
      %add3A_1275 = arith.constant 4 : i32
      %add3A_1276 = arith.addi %add3A_1218, %add3A_1275 : i32
      %mul3A_1277 = arith.constant 4 : i32
      %mul3A_1278 = arith.muli %add3A_1276, %mul3A_1277 : i32
      %add3A_1279 = arith.constant 2 : i32
      %add3A_1280 = arith.addi %mul3A_1278, %add3A_1279 : i32
      %dma_start3A_1281 = arith.constant 3 : i32
      %dma_start3A_1282 = arith.constant 2 : i32
      %dma_start3A_1283 = arith.constant 0 : i32
      %dma_start3A_1284 = arith.constant 0 : i32
      %dma_start3A_1285 = tpu.memref_slice %arg6[%dma_start3A_1281, %dma_start3A_1282, %dma_start3A_1283, %dma_start3A_1284] : memref<4x4x50x64xf32, #tpu.memory_space<vmem>> -> memref<1x1x50x64xf32, #tpu.memory_space<vmem>>
      %dma_start3A_1286 = tpu.memref_squeeze %dma_start3A_1285 : memref<1x1x50x64xf32, #tpu.memory_space<vmem>> -> memref<50x64xf32, #tpu.memory_space<vmem>>
      %dma_start3A_1287 = arith.constant 0 : i32
      %dma_start3A_1288 = tpu.memref_slice %arg5[%add3A_1280, %dma_start3A_1287] : memref<512x50xi32, #tpu.memory_space<vmem>> -> memref<1x50xi32, #tpu.memory_space<vmem>>
      %dma_start3A_1289 = tpu.memref_squeeze %dma_start3A_1288 : memref<1x50xi32, #tpu.memory_space<vmem>> -> memref<50xi32, #tpu.memory_space<vmem>>
      %dma_start3A_1290 = arith.constant 0 : i32
      %dma_start3A_1291 = arith.constant 0 : i32
      %dma_start3A_1292 = tpu.memref_slice %arg3[%dma_start3A_1290, %dma_start3A_1291] : memref<1000000x64xf32, #tpu.memory_space<hbm>> -> memref<1000000x64xf32, #tpu.memory_space<hbm>>
      tpu.enqueue_indirect_dma source(%dma_start3A_1292 : memref<1000000x64xf32, #tpu.memory_space<hbm>>) target(%dma_start3A_1286 : memref<50x64xf32, #tpu.memory_space<vmem>>) offsets(%dma_start3A_1289 : memref<50xi32, #tpu.memory_space<vmem>>) semaphore(%arg10 : memref<!tpu.dma_semaphore, #tpu.memory_space<semaphore_mem>>)
      %add3A_1293 = arith.constant 4 : i32
      %add3A_1294 = arith.addi %add3A_1218, %add3A_1293 : i32
      %mul3A_1295 = arith.constant 4 : i32
      %mul3A_1296 = arith.muli %add3A_1294, %mul3A_1295 : i32
      %add3A_1297 = arith.constant 3 : i32
      %add3A_1298 = arith.addi %mul3A_1296, %add3A_1297 : i32
      %dma_start3A_1299 = arith.constant 3 : i32
      %dma_start3A_1300 = arith.constant 3 : i32
      %dma_start3A_1301 = arith.constant 0 : i32
      %dma_start3A_1302 = arith.constant 0 : i32
      %dma_start3A_1303 = tpu.memref_slice %arg6[%dma_start3A_1299, %dma_start3A_1300, %dma_start3A_1301, %dma_start3A_1302] : memref<4x4x50x64xf32, #tpu.memory_space<vmem>> -> memref<1x1x50x64xf32, #tpu.memory_space<vmem>>
      %dma_start3A_1304 = tpu.memref_squeeze %dma_start3A_1303 : memref<1x1x50x64xf32, #tpu.memory_space<vmem>> -> memref<50x64xf32, #tpu.memory_space<vmem>>
      %dma_start3A_1305 = arith.constant 0 : i32
      %dma_start3A_1306 = tpu.memref_slice %arg5[%add3A_1298, %dma_start3A_1305] : memref<512x50xi32, #tpu.memory_space<vmem>> -> memref<1x50xi32, #tpu.memory_space<vmem>>
      %dma_start3A_1307 = tpu.memref_squeeze %dma_start3A_1306 : memref<1x50xi32, #tpu.memory_space<vmem>> -> memref<50xi32, #tpu.memory_space<vmem>>
      %dma_start3A_1308 = arith.constant 0 : i32
      %dma_start3A_1309 = arith.constant 0 : i32
      %dma_start3A_1310 = tpu.memref_slice %arg3[%dma_start3A_1308, %dma_start3A_1309] : memref<1000000x64xf32, #tpu.memory_space<hbm>> -> memref<1000000x64xf32, #tpu.memory_space<hbm>>
      tpu.enqueue_indirect_dma source(%dma_start3A_1310 : memref<1000000x64xf32, #tpu.memory_space<hbm>>) target(%dma_start3A_1304 : memref<50x64xf32, #tpu.memory_space<vmem>>) offsets(%dma_start3A_1307 : memref<50xi32, #tpu.memory_space<vmem>>) semaphore(%arg10 : memref<!tpu.dma_semaphore, #tpu.memory_space<semaphore_mem>>)
    }
    %scan3A_214 = arith.constant 31 : i32
    %dma_wait3A = arith.constant 496 : i32
    %dma_wait3A_215 = arith.constant 0 : i32
    %dma_wait3A_216 = arith.constant 0 : i32
    %dma_wait3A_217 = arith.constant 0 : i32
    %dma_wait3A_218 = arith.constant 0 : i32
    %dma_wait3A_219 = tpu.memref_slice %arg6[%dma_wait3A_215, %dma_wait3A_216, %dma_wait3A_217, %dma_wait3A_218] : memref<4x4x50x64xf32, #tpu.memory_space<vmem>> -> memref<1x1x50x64xf32, #tpu.memory_space<vmem>>
    %dma_wait3A_220 = tpu.memref_squeeze %dma_wait3A_219 : memref<1x1x50x64xf32, #tpu.memory_space<vmem>> -> memref<50x64xf32, #tpu.memory_space<vmem>>
    %dma_wait3A_221 = arith.constant 0 : i32
    %dma_wait3A_222 = tpu.memref_slice %arg5[%dma_wait3A, %dma_wait3A_221] : memref<512x50xi32, #tpu.memory_space<vmem>> -> memref<1x50xi32, #tpu.memory_space<vmem>>
    %dma_wait3A_223 = tpu.memref_squeeze %dma_wait3A_222 : memref<1x50xi32, #tpu.memory_space<vmem>> -> memref<50xi32, #tpu.memory_space<vmem>>
    %dma_wait3A_224 = arith.constant 0 : i32
    %dma_wait3A_225 = arith.constant 0 : i32
    %dma_wait3A_226 = tpu.memref_slice %arg3[%dma_wait3A_224, %dma_wait3A_225] : memref<1000000x64xf32, #tpu.memory_space<hbm>> -> memref<1000000x64xf32, #tpu.memory_space<hbm>>
    tpu.wait_indirect_dma semaphore(%arg7 : memref<!tpu.dma_semaphore, #tpu.memory_space<semaphore_mem>>) src(%dma_wait3A_226 : memref<1000000x64xf32, #tpu.memory_space<hbm>>) dst(%dma_wait3A_220 : memref<50x64xf32, #tpu.memory_space<vmem>>)
    %dma_wait3A_227 = arith.constant 497 : i32
    %dma_wait3A_228 = arith.constant 0 : i32
    %dma_wait3A_229 = arith.constant 1 : i32
    %dma_wait3A_230 = arith.constant 0 : i32
    %dma_wait3A_231 = arith.constant 0 : i32
    %dma_wait3A_232 = tpu.memref_slice %arg6[%dma_wait3A_228, %dma_wait3A_229, %dma_wait3A_230, %dma_wait3A_231] : memref<4x4x50x64xf32, #tpu.memory_space<vmem>> -> memref<1x1x50x64xf32, #tpu.memory_space<vmem>>
    %dma_wait3A_233 = tpu.memref_squeeze %dma_wait3A_232 : memref<1x1x50x64xf32, #tpu.memory_space<vmem>> -> memref<50x64xf32, #tpu.memory_space<vmem>>
    %dma_wait3A_234 = arith.constant 0 : i32
    %dma_wait3A_235 = tpu.memref_slice %arg5[%dma_wait3A_227, %dma_wait3A_234] : memref<512x50xi32, #tpu.memory_space<vmem>> -> memref<1x50xi32, #tpu.memory_space<vmem>>
    %dma_wait3A_236 = tpu.memref_squeeze %dma_wait3A_235 : memref<1x50xi32, #tpu.memory_space<vmem>> -> memref<50xi32, #tpu.memory_space<vmem>>
    %dma_wait3A_237 = arith.constant 0 : i32
    %dma_wait3A_238 = arith.constant 0 : i32
    %dma_wait3A_239 = tpu.memref_slice %arg3[%dma_wait3A_237, %dma_wait3A_238] : memref<1000000x64xf32, #tpu.memory_space<hbm>> -> memref<1000000x64xf32, #tpu.memory_space<hbm>>
    tpu.wait_indirect_dma semaphore(%arg7 : memref<!tpu.dma_semaphore, #tpu.memory_space<semaphore_mem>>) src(%dma_wait3A_239 : memref<1000000x64xf32, #tpu.memory_space<hbm>>) dst(%dma_wait3A_233 : memref<50x64xf32, #tpu.memory_space<vmem>>)
    %dma_wait3A_240 = arith.constant 498 : i32
    %dma_wait3A_241 = arith.constant 0 : i32
    %dma_wait3A_242 = arith.constant 2 : i32
    %dma_wait3A_243 = arith.constant 0 : i32
    %dma_wait3A_244 = arith.constant 0 : i32
    %dma_wait3A_245 = tpu.memref_slice %arg6[%dma_wait3A_241, %dma_wait3A_242, %dma_wait3A_243, %dma_wait3A_244] : memref<4x4x50x64xf32, #tpu.memory_space<vmem>> -> memref<1x1x50x64xf32, #tpu.memory_space<vmem>>
    %dma_wait3A_246 = tpu.memref_squeeze %dma_wait3A_245 : memref<1x1x50x64xf32, #tpu.memory_space<vmem>> -> memref<50x64xf32, #tpu.memory_space<vmem>>
    %dma_wait3A_247 = arith.constant 0 : i32
    %dma_wait3A_248 = tpu.memref_slice %arg5[%dma_wait3A_240, %dma_wait3A_247] : memref<512x50xi32, #tpu.memory_space<vmem>> -> memref<1x50xi32, #tpu.memory_space<vmem>>
    %dma_wait3A_249 = tpu.memref_squeeze %dma_wait3A_248 : memref<1x50xi32, #tpu.memory_space<vmem>> -> memref<50xi32, #tpu.memory_space<vmem>>
    %dma_wait3A_250 = arith.constant 0 : i32
    %dma_wait3A_251 = arith.constant 0 : i32
    %dma_wait3A_252 = tpu.memref_slice %arg3[%dma_wait3A_250, %dma_wait3A_251] : memref<1000000x64xf32, #tpu.memory_space<hbm>> -> memref<1000000x64xf32, #tpu.memory_space<hbm>>
    tpu.wait_indirect_dma semaphore(%arg7 : memref<!tpu.dma_semaphore, #tpu.memory_space<semaphore_mem>>) src(%dma_wait3A_252 : memref<1000000x64xf32, #tpu.memory_space<hbm>>) dst(%dma_wait3A_246 : memref<50x64xf32, #tpu.memory_space<vmem>>)
    %dma_wait3A_253 = arith.constant 499 : i32
    %dma_wait3A_254 = arith.constant 0 : i32
    %dma_wait3A_255 = arith.constant 3 : i32
    %dma_wait3A_256 = arith.constant 0 : i32
    %dma_wait3A_257 = arith.constant 0 : i32
    %dma_wait3A_258 = tpu.memref_slice %arg6[%dma_wait3A_254, %dma_wait3A_255, %dma_wait3A_256, %dma_wait3A_257] : memref<4x4x50x64xf32, #tpu.memory_space<vmem>> -> memref<1x1x50x64xf32, #tpu.memory_space<vmem>>
    %dma_wait3A_259 = tpu.memref_squeeze %dma_wait3A_258 : memref<1x1x50x64xf32, #tpu.memory_space<vmem>> -> memref<50x64xf32, #tpu.memory_space<vmem>>
    %dma_wait3A_260 = arith.constant 0 : i32
    %dma_wait3A_261 = tpu.memref_slice %arg5[%dma_wait3A_253, %dma_wait3A_260] : memref<512x50xi32, #tpu.memory_space<vmem>> -> memref<1x50xi32, #tpu.memory_space<vmem>>
    %dma_wait3A_262 = tpu.memref_squeeze %dma_wait3A_261 : memref<1x50xi32, #tpu.memory_space<vmem>> -> memref<50xi32, #tpu.memory_space<vmem>>
    %dma_wait3A_263 = arith.constant 0 : i32
    %dma_wait3A_264 = arith.constant 0 : i32
    %dma_wait3A_265 = tpu.memref_slice %arg3[%dma_wait3A_263, %dma_wait3A_264] : memref<1000000x64xf32, #tpu.memory_space<hbm>> -> memref<1000000x64xf32, #tpu.memory_space<hbm>>
    tpu.wait_indirect_dma semaphore(%arg7 : memref<!tpu.dma_semaphore, #tpu.memory_space<semaphore_mem>>) src(%dma_wait3A_265 : memref<1000000x64xf32, #tpu.memory_space<hbm>>) dst(%dma_wait3A_259 : memref<50x64xf32, #tpu.memory_space<vmem>>)
    %add3A_266 = arith.constant 496 : i32
    %add3A_267 = arith.addi %mul3A_2, %add3A_266 : i32
    %dma_start3A_268 = arith.constant 0 : i32
    %dma_start3A_269 = arith.constant 0 : i32
    %dma_start3A_270 = arith.constant 0 : i32
    %dma_start3A_271 = arith.constant 0 : i32
    %dma_start3A_272 = tpu.memref_slice %arg6[%dma_start3A_268, %dma_start3A_269, %dma_start3A_270, %dma_start3A_271] : memref<4x4x50x64xf32, #tpu.memory_space<vmem>> -> memref<1x4x50x64xf32, #tpu.memory_space<vmem>>
    %dma_start3A_273 = tpu.memref_squeeze %dma_start3A_272 : memref<1x4x50x64xf32, #tpu.memory_space<vmem>> -> memref<4x50x64xf32, #tpu.memory_space<vmem>>
    %dma_start3A_274 = arith.constant 0 : i32
    %dma_start3A_275 = arith.constant 0 : i32
    %dma_start3A_276 = tpu.memref_slice %arg4[%add3A_267, %dma_start3A_274, %dma_start3A_275] : memref<16384x50x64xf32, #tpu.memory_space<hbm>> -> memref<4x50x64xf32, #tpu.memory_space<hbm>>
    %dma_start3A_277 = arith.constant 0 : i32
    %dma_start3A_278 = arith.constant 0 : i32
    %dma_start3A_279 = tpu.memref_slice %arg4[%add3A_267, %dma_start3A_277, %dma_start3A_278] : memref<16384x50x64xf32, #tpu.memory_space<hbm>> -> memref<4x50x64xf32, #tpu.memory_space<hbm>>
    %dma_start3A_280 = arith.constant 0 : i32
    %dma_start3A_281 = arith.constant 0 : i32
    %dma_start3A_282 = arith.constant 0 : i32
    %dma_start3A_283 = tpu.memref_slice %arg6[%dma_start3A_268, %dma_start3A_280, %dma_start3A_281, %dma_start3A_282] : memref<4x4x50x64xf32, #tpu.memory_space<vmem>> -> memref<1x4x50x64xf32, #tpu.memory_space<vmem>>
    %dma_start3A_284 = tpu.memref_squeeze %dma_start3A_283 : memref<1x4x50x64xf32, #tpu.memory_space<vmem>> -> memref<4x50x64xf32, #tpu.memory_space<vmem>>
    tpu.enqueue_dma source(%dma_start3A_284 : memref<4x50x64xf32, #tpu.memory_space<vmem>>) target(%dma_start3A_279 : memref<4x50x64xf32, #tpu.memory_space<hbm>>) target_semaphore(%arg11 : memref<!tpu.dma_semaphore, #tpu.memory_space<semaphore_mem>>)
    %dma_wait3A_285 = arith.constant 500 : i32
    %dma_wait3A_286 = arith.constant 1 : i32
    %dma_wait3A_287 = arith.constant 0 : i32
    %dma_wait3A_288 = arith.constant 0 : i32
    %dma_wait3A_289 = arith.constant 0 : i32
    %dma_wait3A_290 = tpu.memref_slice %arg6[%dma_wait3A_286, %dma_wait3A_287, %dma_wait3A_288, %dma_wait3A_289] : memref<4x4x50x64xf32, #tpu.memory_space<vmem>> -> memref<1x1x50x64xf32, #tpu.memory_space<vmem>>
    %dma_wait3A_291 = tpu.memref_squeeze %dma_wait3A_290 : memref<1x1x50x64xf32, #tpu.memory_space<vmem>> -> memref<50x64xf32, #tpu.memory_space<vmem>>
    %dma_wait3A_292 = arith.constant 0 : i32
    %dma_wait3A_293 = tpu.memref_slice %arg5[%dma_wait3A_285, %dma_wait3A_292] : memref<512x50xi32, #tpu.memory_space<vmem>> -> memref<1x50xi32, #tpu.memory_space<vmem>>
    %dma_wait3A_294 = tpu.memref_squeeze %dma_wait3A_293 : memref<1x50xi32, #tpu.memory_space<vmem>> -> memref<50xi32, #tpu.memory_space<vmem>>
    %dma_wait3A_295 = arith.constant 0 : i32
    %dma_wait3A_296 = arith.constant 0 : i32
    %dma_wait3A_297 = tpu.memref_slice %arg3[%dma_wait3A_295, %dma_wait3A_296] : memref<1000000x64xf32, #tpu.memory_space<hbm>> -> memref<1000000x64xf32, #tpu.memory_space<hbm>>
    tpu.wait_indirect_dma semaphore(%arg8 : memref<!tpu.dma_semaphore, #tpu.memory_space<semaphore_mem>>) src(%dma_wait3A_297 : memref<1000000x64xf32, #tpu.memory_space<hbm>>) dst(%dma_wait3A_291 : memref<50x64xf32, #tpu.memory_space<vmem>>)
    %dma_wait3A_298 = arith.constant 501 : i32
    %dma_wait3A_299 = arith.constant 1 : i32
    %dma_wait3A_300 = arith.constant 1 : i32
    %dma_wait3A_301 = arith.constant 0 : i32
    %dma_wait3A_302 = arith.constant 0 : i32
    %dma_wait3A_303 = tpu.memref_slice %arg6[%dma_wait3A_299, %dma_wait3A_300, %dma_wait3A_301, %dma_wait3A_302] : memref<4x4x50x64xf32, #tpu.memory_space<vmem>> -> memref<1x1x50x64xf32, #tpu.memory_space<vmem>>
    %dma_wait3A_304 = tpu.memref_squeeze %dma_wait3A_303 : memref<1x1x50x64xf32, #tpu.memory_space<vmem>> -> memref<50x64xf32, #tpu.memory_space<vmem>>
    %dma_wait3A_305 = arith.constant 0 : i32
    %dma_wait3A_306 = tpu.memref_slice %arg5[%dma_wait3A_298, %dma_wait3A_305] : memref<512x50xi32, #tpu.memory_space<vmem>> -> memref<1x50xi32, #tpu.memory_space<vmem>>
    %dma_wait3A_307 = tpu.memref_squeeze %dma_wait3A_306 : memref<1x50xi32, #tpu.memory_space<vmem>> -> memref<50xi32, #tpu.memory_space<vmem>>
    %dma_wait3A_308 = arith.constant 0 : i32
    %dma_wait3A_309 = arith.constant 0 : i32
    %dma_wait3A_310 = tpu.memref_slice %arg3[%dma_wait3A_308, %dma_wait3A_309] : memref<1000000x64xf32, #tpu.memory_space<hbm>> -> memref<1000000x64xf32, #tpu.memory_space<hbm>>
    tpu.wait_indirect_dma semaphore(%arg8 : memref<!tpu.dma_semaphore, #tpu.memory_space<semaphore_mem>>) src(%dma_wait3A_310 : memref<1000000x64xf32, #tpu.memory_space<hbm>>) dst(%dma_wait3A_304 : memref<50x64xf32, #tpu.memory_space<vmem>>)
    %dma_wait3A_311 = arith.constant 502 : i32
    %dma_wait3A_312 = arith.constant 1 : i32
    %dma_wait3A_313 = arith.constant 2 : i32
    %dma_wait3A_314 = arith.constant 0 : i32
    %dma_wait3A_315 = arith.constant 0 : i32
    %dma_wait3A_316 = tpu.memref_slice %arg6[%dma_wait3A_312, %dma_wait3A_313, %dma_wait3A_314, %dma_wait3A_315] : memref<4x4x50x64xf32, #tpu.memory_space<vmem>> -> memref<1x1x50x64xf32, #tpu.memory_space<vmem>>
    %dma_wait3A_317 = tpu.memref_squeeze %dma_wait3A_316 : memref<1x1x50x64xf32, #tpu.memory_space<vmem>> -> memref<50x64xf32, #tpu.memory_space<vmem>>
    %dma_wait3A_318 = arith.constant 0 : i32
    %dma_wait3A_319 = tpu.memref_slice %arg5[%dma_wait3A_311, %dma_wait3A_318] : memref<512x50xi32, #tpu.memory_space<vmem>> -> memref<1x50xi32, #tpu.memory_space<vmem>>
    %dma_wait3A_320 = tpu.memref_squeeze %dma_wait3A_319 : memref<1x50xi32, #tpu.memory_space<vmem>> -> memref<50xi32, #tpu.memory_space<vmem>>
    %dma_wait3A_321 = arith.constant 0 : i32
    %dma_wait3A_322 = arith.constant 0 : i32
    %dma_wait3A_323 = tpu.memref_slice %arg3[%dma_wait3A_321, %dma_wait3A_322] : memref<1000000x64xf32, #tpu.memory_space<hbm>> -> memref<1000000x64xf32, #tpu.memory_space<hbm>>
    tpu.wait_indirect_dma semaphore(%arg8 : memref<!tpu.dma_semaphore, #tpu.memory_space<semaphore_mem>>) src(%dma_wait3A_323 : memref<1000000x64xf32, #tpu.memory_space<hbm>>) dst(%dma_wait3A_317 : memref<50x64xf32, #tpu.memory_space<vmem>>)
    %dma_wait3A_324 = arith.constant 503 : i32
    %dma_wait3A_325 = arith.constant 1 : i32
    %dma_wait3A_326 = arith.constant 3 : i32
    %dma_wait3A_327 = arith.constant 0 : i32
    %dma_wait3A_328 = arith.constant 0 : i32
    %dma_wait3A_329 = tpu.memref_slice %arg6[%dma_wait3A_325, %dma_wait3A_326, %dma_wait3A_327, %dma_wait3A_328] : memref<4x4x50x64xf32, #tpu.memory_space<vmem>> -> memref<1x1x50x64xf32, #tpu.memory_space<vmem>>
    %dma_wait3A_330 = tpu.memref_squeeze %dma_wait3A_329 : memref<1x1x50x64xf32, #tpu.memory_space<vmem>> -> memref<50x64xf32, #tpu.memory_space<vmem>>
    %dma_wait3A_331 = arith.constant 0 : i32
    %dma_wait3A_332 = tpu.memref_slice %arg5[%dma_wait3A_324, %dma_wait3A_331] : memref<512x50xi32, #tpu.memory_space<vmem>> -> memref<1x50xi32, #tpu.memory_space<vmem>>
    %dma_wait3A_333 = tpu.memref_squeeze %dma_wait3A_332 : memref<1x50xi32, #tpu.memory_space<vmem>> -> memref<50xi32, #tpu.memory_space<vmem>>
    %dma_wait3A_334 = arith.constant 0 : i32
    %dma_wait3A_335 = arith.constant 0 : i32
    %dma_wait3A_336 = tpu.memref_slice %arg3[%dma_wait3A_334, %dma_wait3A_335] : memref<1000000x64xf32, #tpu.memory_space<hbm>> -> memref<1000000x64xf32, #tpu.memory_space<hbm>>
    tpu.wait_indirect_dma semaphore(%arg8 : memref<!tpu.dma_semaphore, #tpu.memory_space<semaphore_mem>>) src(%dma_wait3A_336 : memref<1000000x64xf32, #tpu.memory_space<hbm>>) dst(%dma_wait3A_330 : memref<50x64xf32, #tpu.memory_space<vmem>>)
    %add3A_337 = arith.constant 500 : i32
    %add3A_338 = arith.addi %mul3A_2, %add3A_337 : i32
    %dma_start3A_339 = arith.constant 1 : i32
    %dma_start3A_340 = arith.constant 0 : i32
    %dma_start3A_341 = arith.constant 0 : i32
    %dma_start3A_342 = arith.constant 0 : i32
    %dma_start3A_343 = tpu.memref_slice %arg6[%dma_start3A_339, %dma_start3A_340, %dma_start3A_341, %dma_start3A_342] : memref<4x4x50x64xf32, #tpu.memory_space<vmem>> -> memref<1x4x50x64xf32, #tpu.memory_space<vmem>>
    %dma_start3A_344 = tpu.memref_squeeze %dma_start3A_343 : memref<1x4x50x64xf32, #tpu.memory_space<vmem>> -> memref<4x50x64xf32, #tpu.memory_space<vmem>>
    %dma_start3A_345 = arith.constant 0 : i32
    %dma_start3A_346 = arith.constant 0 : i32
    %dma_start3A_347 = tpu.memref_slice %arg4[%add3A_338, %dma_start3A_345, %dma_start3A_346] : memref<16384x50x64xf32, #tpu.memory_space<hbm>> -> memref<4x50x64xf32, #tpu.memory_space<hbm>>
    %dma_start3A_348 = arith.constant 0 : i32
    %dma_start3A_349 = arith.constant 0 : i32
    %dma_start3A_350 = tpu.memref_slice %arg4[%add3A_338, %dma_start3A_348, %dma_start3A_349] : memref<16384x50x64xf32, #tpu.memory_space<hbm>> -> memref<4x50x64xf32, #tpu.memory_space<hbm>>
    %dma_start3A_351 = arith.constant 0 : i32
    %dma_start3A_352 = arith.constant 0 : i32
    %dma_start3A_353 = arith.constant 0 : i32
    %dma_start3A_354 = tpu.memref_slice %arg6[%dma_start3A_339, %dma_start3A_351, %dma_start3A_352, %dma_start3A_353] : memref<4x4x50x64xf32, #tpu.memory_space<vmem>> -> memref<1x4x50x64xf32, #tpu.memory_space<vmem>>
    %dma_start3A_355 = tpu.memref_squeeze %dma_start3A_354 : memref<1x4x50x64xf32, #tpu.memory_space<vmem>> -> memref<4x50x64xf32, #tpu.memory_space<vmem>>
    tpu.enqueue_dma source(%dma_start3A_355 : memref<4x50x64xf32, #tpu.memory_space<vmem>>) target(%dma_start3A_350 : memref<4x50x64xf32, #tpu.memory_space<hbm>>) target_semaphore(%arg12 : memref<!tpu.dma_semaphore, #tpu.memory_space<semaphore_mem>>)
    %dma_wait3A_356 = arith.constant 504 : i32
    %dma_wait3A_357 = arith.constant 2 : i32
    %dma_wait3A_358 = arith.constant 0 : i32
    %dma_wait3A_359 = arith.constant 0 : i32
    %dma_wait3A_360 = arith.constant 0 : i32
    %dma_wait3A_361 = tpu.memref_slice %arg6[%dma_wait3A_357, %dma_wait3A_358, %dma_wait3A_359, %dma_wait3A_360] : memref<4x4x50x64xf32, #tpu.memory_space<vmem>> -> memref<1x1x50x64xf32, #tpu.memory_space<vmem>>
    %dma_wait3A_362 = tpu.memref_squeeze %dma_wait3A_361 : memref<1x1x50x64xf32, #tpu.memory_space<vmem>> -> memref<50x64xf32, #tpu.memory_space<vmem>>
    %dma_wait3A_363 = arith.constant 0 : i32
    %dma_wait3A_364 = tpu.memref_slice %arg5[%dma_wait3A_356, %dma_wait3A_363] : memref<512x50xi32, #tpu.memory_space<vmem>> -> memref<1x50xi32, #tpu.memory_space<vmem>>
    %dma_wait3A_365 = tpu.memref_squeeze %dma_wait3A_364 : memref<1x50xi32, #tpu.memory_space<vmem>> -> memref<50xi32, #tpu.memory_space<vmem>>
    %dma_wait3A_366 = arith.constant 0 : i32
    %dma_wait3A_367 = arith.constant 0 : i32
    %dma_wait3A_368 = tpu.memref_slice %arg3[%dma_wait3A_366, %dma_wait3A_367] : memref<1000000x64xf32, #tpu.memory_space<hbm>> -> memref<1000000x64xf32, #tpu.memory_space<hbm>>
    tpu.wait_indirect_dma semaphore(%arg9 : memref<!tpu.dma_semaphore, #tpu.memory_space<semaphore_mem>>) src(%dma_wait3A_368 : memref<1000000x64xf32, #tpu.memory_space<hbm>>) dst(%dma_wait3A_362 : memref<50x64xf32, #tpu.memory_space<vmem>>)
    %dma_wait3A_369 = arith.constant 505 : i32
    %dma_wait3A_370 = arith.constant 2 : i32
    %dma_wait3A_371 = arith.constant 1 : i32
    %dma_wait3A_372 = arith.constant 0 : i32
    %dma_wait3A_373 = arith.constant 0 : i32
    %dma_wait3A_374 = tpu.memref_slice %arg6[%dma_wait3A_370, %dma_wait3A_371, %dma_wait3A_372, %dma_wait3A_373] : memref<4x4x50x64xf32, #tpu.memory_space<vmem>> -> memref<1x1x50x64xf32, #tpu.memory_space<vmem>>
    %dma_wait3A_375 = tpu.memref_squeeze %dma_wait3A_374 : memref<1x1x50x64xf32, #tpu.memory_space<vmem>> -> memref<50x64xf32, #tpu.memory_space<vmem>>
    %dma_wait3A_376 = arith.constant 0 : i32
    %dma_wait3A_377 = tpu.memref_slice %arg5[%dma_wait3A_369, %dma_wait3A_376] : memref<512x50xi32, #tpu.memory_space<vmem>> -> memref<1x50xi32, #tpu.memory_space<vmem>>
    %dma_wait3A_378 = tpu.memref_squeeze %dma_wait3A_377 : memref<1x50xi32, #tpu.memory_space<vmem>> -> memref<50xi32, #tpu.memory_space<vmem>>
    %dma_wait3A_379 = arith.constant 0 : i32
    %dma_wait3A_380 = arith.constant 0 : i32
    %dma_wait3A_381 = tpu.memref_slice %arg3[%dma_wait3A_379, %dma_wait3A_380] : memref<1000000x64xf32, #tpu.memory_space<hbm>> -> memref<1000000x64xf32, #tpu.memory_space<hbm>>
    tpu.wait_indirect_dma semaphore(%arg9 : memref<!tpu.dma_semaphore, #tpu.memory_space<semaphore_mem>>) src(%dma_wait3A_381 : memref<1000000x64xf32, #tpu.memory_space<hbm>>) dst(%dma_wait3A_375 : memref<50x64xf32, #tpu.memory_space<vmem>>)
    %dma_wait3A_382 = arith.constant 506 : i32
    %dma_wait3A_383 = arith.constant 2 : i32
    %dma_wait3A_384 = arith.constant 2 : i32
    %dma_wait3A_385 = arith.constant 0 : i32
    %dma_wait3A_386 = arith.constant 0 : i32
    %dma_wait3A_387 = tpu.memref_slice %arg6[%dma_wait3A_383, %dma_wait3A_384, %dma_wait3A_385, %dma_wait3A_386] : memref<4x4x50x64xf32, #tpu.memory_space<vmem>> -> memref<1x1x50x64xf32, #tpu.memory_space<vmem>>
    %dma_wait3A_388 = tpu.memref_squeeze %dma_wait3A_387 : memref<1x1x50x64xf32, #tpu.memory_space<vmem>> -> memref<50x64xf32, #tpu.memory_space<vmem>>
    %dma_wait3A_389 = arith.constant 0 : i32
    %dma_wait3A_390 = tpu.memref_slice %arg5[%dma_wait3A_382, %dma_wait3A_389] : memref<512x50xi32, #tpu.memory_space<vmem>> -> memref<1x50xi32, #tpu.memory_space<vmem>>
    %dma_wait3A_391 = tpu.memref_squeeze %dma_wait3A_390 : memref<1x50xi32, #tpu.memory_space<vmem>> -> memref<50xi32, #tpu.memory_space<vmem>>
    %dma_wait3A_392 = arith.constant 0 : i32
    %dma_wait3A_393 = arith.constant 0 : i32
    %dma_wait3A_394 = tpu.memref_slice %arg3[%dma_wait3A_392, %dma_wait3A_393] : memref<1000000x64xf32, #tpu.memory_space<hbm>> -> memref<1000000x64xf32, #tpu.memory_space<hbm>>
    tpu.wait_indirect_dma semaphore(%arg9 : memref<!tpu.dma_semaphore, #tpu.memory_space<semaphore_mem>>) src(%dma_wait3A_394 : memref<1000000x64xf32, #tpu.memory_space<hbm>>) dst(%dma_wait3A_388 : memref<50x64xf32, #tpu.memory_space<vmem>>)
    %dma_wait3A_395 = arith.constant 507 : i32
    %dma_wait3A_396 = arith.constant 2 : i32
    %dma_wait3A_397 = arith.constant 3 : i32
    %dma_wait3A_398 = arith.constant 0 : i32
    %dma_wait3A_399 = arith.constant 0 : i32
    %dma_wait3A_400 = tpu.memref_slice %arg6[%dma_wait3A_396, %dma_wait3A_397, %dma_wait3A_398, %dma_wait3A_399] : memref<4x4x50x64xf32, #tpu.memory_space<vmem>> -> memref<1x1x50x64xf32, #tpu.memory_space<vmem>>
    %dma_wait3A_401 = tpu.memref_squeeze %dma_wait3A_400 : memref<1x1x50x64xf32, #tpu.memory_space<vmem>> -> memref<50x64xf32, #tpu.memory_space<vmem>>
    %dma_wait3A_402 = arith.constant 0 : i32
    %dma_wait3A_403 = tpu.memref_slice %arg5[%dma_wait3A_395, %dma_wait3A_402] : memref<512x50xi32, #tpu.memory_space<vmem>> -> memref<1x50xi32, #tpu.memory_space<vmem>>
    %dma_wait3A_404 = tpu.memref_squeeze %dma_wait3A_403 : memref<1x50xi32, #tpu.memory_space<vmem>> -> memref<50xi32, #tpu.memory_space<vmem>>
    %dma_wait3A_405 = arith.constant 0 : i32
    %dma_wait3A_406 = arith.constant 0 : i32
    %dma_wait3A_407 = tpu.memref_slice %arg3[%dma_wait3A_405, %dma_wait3A_406] : memref<1000000x64xf32, #tpu.memory_space<hbm>> -> memref<1000000x64xf32, #tpu.memory_space<hbm>>
    tpu.wait_indirect_dma semaphore(%arg9 : memref<!tpu.dma_semaphore, #tpu.memory_space<semaphore_mem>>) src(%dma_wait3A_407 : memref<1000000x64xf32, #tpu.memory_space<hbm>>) dst(%dma_wait3A_401 : memref<50x64xf32, #tpu.memory_space<vmem>>)
    %add3A_408 = arith.constant 504 : i32
    %add3A_409 = arith.addi %mul3A_2, %add3A_408 : i32
    %dma_start3A_410 = arith.constant 2 : i32
    %dma_start3A_411 = arith.constant 0 : i32
    %dma_start3A_412 = arith.constant 0 : i32
    %dma_start3A_413 = arith.constant 0 : i32
    %dma_start3A_414 = tpu.memref_slice %arg6[%dma_start3A_410, %dma_start3A_411, %dma_start3A_412, %dma_start3A_413] : memref<4x4x50x64xf32, #tpu.memory_space<vmem>> -> memref<1x4x50x64xf32, #tpu.memory_space<vmem>>
    %dma_start3A_415 = tpu.memref_squeeze %dma_start3A_414 : memref<1x4x50x64xf32, #tpu.memory_space<vmem>> -> memref<4x50x64xf32, #tpu.memory_space<vmem>>
    %dma_start3A_416 = arith.constant 0 : i32
    %dma_start3A_417 = arith.constant 0 : i32
    %dma_start3A_418 = tpu.memref_slice %arg4[%add3A_409, %dma_start3A_416, %dma_start3A_417] : memref<16384x50x64xf32, #tpu.memory_space<hbm>> -> memref<4x50x64xf32, #tpu.memory_space<hbm>>
    %dma_start3A_419 = arith.constant 0 : i32
    %dma_start3A_420 = arith.constant 0 : i32
    %dma_start3A_421 = tpu.memref_slice %arg4[%add3A_409, %dma_start3A_419, %dma_start3A_420] : memref<16384x50x64xf32, #tpu.memory_space<hbm>> -> memref<4x50x64xf32, #tpu.memory_space<hbm>>
    %dma_start3A_422 = arith.constant 0 : i32
    %dma_start3A_423 = arith.constant 0 : i32
    %dma_start3A_424 = arith.constant 0 : i32
    %dma_start3A_425 = tpu.memref_slice %arg6[%dma_start3A_410, %dma_start3A_422, %dma_start3A_423, %dma_start3A_424] : memref<4x4x50x64xf32, #tpu.memory_space<vmem>> -> memref<1x4x50x64xf32, #tpu.memory_space<vmem>>
    %dma_start3A_426 = tpu.memref_squeeze %dma_start3A_425 : memref<1x4x50x64xf32, #tpu.memory_space<vmem>> -> memref<4x50x64xf32, #tpu.memory_space<vmem>>
    tpu.enqueue_dma source(%dma_start3A_426 : memref<4x50x64xf32, #tpu.memory_space<vmem>>) target(%dma_start3A_421 : memref<4x50x64xf32, #tpu.memory_space<hbm>>) target_semaphore(%arg13 : memref<!tpu.dma_semaphore, #tpu.memory_space<semaphore_mem>>)
    %dma_wait3A_427 = arith.constant 508 : i32
    %dma_wait3A_428 = arith.constant 3 : i32
    %dma_wait3A_429 = arith.constant 0 : i32
    %dma_wait3A_430 = arith.constant 0 : i32
    %dma_wait3A_431 = arith.constant 0 : i32
    %dma_wait3A_432 = tpu.memref_slice %arg6[%dma_wait3A_428, %dma_wait3A_429, %dma_wait3A_430, %dma_wait3A_431] : memref<4x4x50x64xf32, #tpu.memory_space<vmem>> -> memref<1x1x50x64xf32, #tpu.memory_space<vmem>>
    %dma_wait3A_433 = tpu.memref_squeeze %dma_wait3A_432 : memref<1x1x50x64xf32, #tpu.memory_space<vmem>> -> memref<50x64xf32, #tpu.memory_space<vmem>>
    %dma_wait3A_434 = arith.constant 0 : i32
    %dma_wait3A_435 = tpu.memref_slice %arg5[%dma_wait3A_427, %dma_wait3A_434] : memref<512x50xi32, #tpu.memory_space<vmem>> -> memref<1x50xi32, #tpu.memory_space<vmem>>
    %dma_wait3A_436 = tpu.memref_squeeze %dma_wait3A_435 : memref<1x50xi32, #tpu.memory_space<vmem>> -> memref<50xi32, #tpu.memory_space<vmem>>
    %dma_wait3A_437 = arith.constant 0 : i32
    %dma_wait3A_438 = arith.constant 0 : i32
    %dma_wait3A_439 = tpu.memref_slice %arg3[%dma_wait3A_437, %dma_wait3A_438] : memref<1000000x64xf32, #tpu.memory_space<hbm>> -> memref<1000000x64xf32, #tpu.memory_space<hbm>>
    tpu.wait_indirect_dma semaphore(%arg10 : memref<!tpu.dma_semaphore, #tpu.memory_space<semaphore_mem>>) src(%dma_wait3A_439 : memref<1000000x64xf32, #tpu.memory_space<hbm>>) dst(%dma_wait3A_433 : memref<50x64xf32, #tpu.memory_space<vmem>>)
    %dma_wait3A_440 = arith.constant 509 : i32
    %dma_wait3A_441 = arith.constant 3 : i32
    %dma_wait3A_442 = arith.constant 1 : i32
    %dma_wait3A_443 = arith.constant 0 : i32
    %dma_wait3A_444 = arith.constant 0 : i32
    %dma_wait3A_445 = tpu.memref_slice %arg6[%dma_wait3A_441, %dma_wait3A_442, %dma_wait3A_443, %dma_wait3A_444] : memref<4x4x50x64xf32, #tpu.memory_space<vmem>> -> memref<1x1x50x64xf32, #tpu.memory_space<vmem>>
    %dma_wait3A_446 = tpu.memref_squeeze %dma_wait3A_445 : memref<1x1x50x64xf32, #tpu.memory_space<vmem>> -> memref<50x64xf32, #tpu.memory_space<vmem>>
    %dma_wait3A_447 = arith.constant 0 : i32
    %dma_wait3A_448 = tpu.memref_slice %arg5[%dma_wait3A_440, %dma_wait3A_447] : memref<512x50xi32, #tpu.memory_space<vmem>> -> memref<1x50xi32, #tpu.memory_space<vmem>>
    %dma_wait3A_449 = tpu.memref_squeeze %dma_wait3A_448 : memref<1x50xi32, #tpu.memory_space<vmem>> -> memref<50xi32, #tpu.memory_space<vmem>>
    %dma_wait3A_450 = arith.constant 0 : i32
    %dma_wait3A_451 = arith.constant 0 : i32
    %dma_wait3A_452 = tpu.memref_slice %arg3[%dma_wait3A_450, %dma_wait3A_451] : memref<1000000x64xf32, #tpu.memory_space<hbm>> -> memref<1000000x64xf32, #tpu.memory_space<hbm>>
    tpu.wait_indirect_dma semaphore(%arg10 : memref<!tpu.dma_semaphore, #tpu.memory_space<semaphore_mem>>) src(%dma_wait3A_452 : memref<1000000x64xf32, #tpu.memory_space<hbm>>) dst(%dma_wait3A_446 : memref<50x64xf32, #tpu.memory_space<vmem>>)
    %dma_wait3A_453 = arith.constant 510 : i32
    %dma_wait3A_454 = arith.constant 3 : i32
    %dma_wait3A_455 = arith.constant 2 : i32
    %dma_wait3A_456 = arith.constant 0 : i32
    %dma_wait3A_457 = arith.constant 0 : i32
    %dma_wait3A_458 = tpu.memref_slice %arg6[%dma_wait3A_454, %dma_wait3A_455, %dma_wait3A_456, %dma_wait3A_457] : memref<4x4x50x64xf32, #tpu.memory_space<vmem>> -> memref<1x1x50x64xf32, #tpu.memory_space<vmem>>
    %dma_wait3A_459 = tpu.memref_squeeze %dma_wait3A_458 : memref<1x1x50x64xf32, #tpu.memory_space<vmem>> -> memref<50x64xf32, #tpu.memory_space<vmem>>
    %dma_wait3A_460 = arith.constant 0 : i32
    %dma_wait3A_461 = tpu.memref_slice %arg5[%dma_wait3A_453, %dma_wait3A_460] : memref<512x50xi32, #tpu.memory_space<vmem>> -> memref<1x50xi32, #tpu.memory_space<vmem>>
    %dma_wait3A_462 = tpu.memref_squeeze %dma_wait3A_461 : memref<1x50xi32, #tpu.memory_space<vmem>> -> memref<50xi32, #tpu.memory_space<vmem>>
    %dma_wait3A_463 = arith.constant 0 : i32
    %dma_wait3A_464 = arith.constant 0 : i32
    %dma_wait3A_465 = tpu.memref_slice %arg3[%dma_wait3A_463, %dma_wait3A_464] : memref<1000000x64xf32, #tpu.memory_space<hbm>> -> memref<1000000x64xf32, #tpu.memory_space<hbm>>
    tpu.wait_indirect_dma semaphore(%arg10 : memref<!tpu.dma_semaphore, #tpu.memory_space<semaphore_mem>>) src(%dma_wait3A_465 : memref<1000000x64xf32, #tpu.memory_space<hbm>>) dst(%dma_wait3A_459 : memref<50x64xf32, #tpu.memory_space<vmem>>)
    %dma_wait3A_466 = arith.constant 511 : i32
    %dma_wait3A_467 = arith.constant 3 : i32
    %dma_wait3A_468 = arith.constant 3 : i32
    %dma_wait3A_469 = arith.constant 0 : i32
    %dma_wait3A_470 = arith.constant 0 : i32
    %dma_wait3A_471 = tpu.memref_slice %arg6[%dma_wait3A_467, %dma_wait3A_468, %dma_wait3A_469, %dma_wait3A_470] : memref<4x4x50x64xf32, #tpu.memory_space<vmem>> -> memref<1x1x50x64xf32, #tpu.memory_space<vmem>>
    %dma_wait3A_472 = tpu.memref_squeeze %dma_wait3A_471 : memref<1x1x50x64xf32, #tpu.memory_space<vmem>> -> memref<50x64xf32, #tpu.memory_space<vmem>>
    %dma_wait3A_473 = arith.constant 0 : i32
    %dma_wait3A_474 = tpu.memref_slice %arg5[%dma_wait3A_466, %dma_wait3A_473] : memref<512x50xi32, #tpu.memory_space<vmem>> -> memref<1x50xi32, #tpu.memory_space<vmem>>
    %dma_wait3A_475 = tpu.memref_squeeze %dma_wait3A_474 : memref<1x50xi32, #tpu.memory_space<vmem>> -> memref<50xi32, #tpu.memory_space<vmem>>
    %dma_wait3A_476 = arith.constant 0 : i32
    %dma_wait3A_477 = arith.constant 0 : i32
    %dma_wait3A_478 = tpu.memref_slice %arg3[%dma_wait3A_476, %dma_wait3A_477] : memref<1000000x64xf32, #tpu.memory_space<hbm>> -> memref<1000000x64xf32, #tpu.memory_space<hbm>>
    tpu.wait_indirect_dma semaphore(%arg10 : memref<!tpu.dma_semaphore, #tpu.memory_space<semaphore_mem>>) src(%dma_wait3A_478 : memref<1000000x64xf32, #tpu.memory_space<hbm>>) dst(%dma_wait3A_472 : memref<50x64xf32, #tpu.memory_space<vmem>>)
    %add3A_479 = arith.constant 508 : i32
    %add3A_480 = arith.addi %mul3A_2, %add3A_479 : i32
    %dma_start3A_481 = arith.constant 3 : i32
    %dma_start3A_482 = arith.constant 0 : i32
    %dma_start3A_483 = arith.constant 0 : i32
    %dma_start3A_484 = arith.constant 0 : i32
    %dma_start3A_485 = tpu.memref_slice %arg6[%dma_start3A_481, %dma_start3A_482, %dma_start3A_483, %dma_start3A_484] : memref<4x4x50x64xf32, #tpu.memory_space<vmem>> -> memref<1x4x50x64xf32, #tpu.memory_space<vmem>>
    %dma_start3A_486 = tpu.memref_squeeze %dma_start3A_485 : memref<1x4x50x64xf32, #tpu.memory_space<vmem>> -> memref<4x50x64xf32, #tpu.memory_space<vmem>>
    %dma_start3A_487 = arith.constant 0 : i32
    %dma_start3A_488 = arith.constant 0 : i32
    %dma_start3A_489 = tpu.memref_slice %arg4[%add3A_480, %dma_start3A_487, %dma_start3A_488] : memref<16384x50x64xf32, #tpu.memory_space<hbm>> -> memref<4x50x64xf32, #tpu.memory_space<hbm>>
    %dma_start3A_490 = arith.constant 0 : i32
    %dma_start3A_491 = arith.constant 0 : i32
    %dma_start3A_492 = tpu.memref_slice %arg4[%add3A_480, %dma_start3A_490, %dma_start3A_491] : memref<16384x50x64xf32, #tpu.memory_space<hbm>> -> memref<4x50x64xf32, #tpu.memory_space<hbm>>
    %dma_start3A_493 = arith.constant 0 : i32
    %dma_start3A_494 = arith.constant 0 : i32
    %dma_start3A_495 = arith.constant 0 : i32
    %dma_start3A_496 = tpu.memref_slice %arg6[%dma_start3A_481, %dma_start3A_493, %dma_start3A_494, %dma_start3A_495] : memref<4x4x50x64xf32, #tpu.memory_space<vmem>> -> memref<1x4x50x64xf32, #tpu.memory_space<vmem>>
    %dma_start3A_497 = tpu.memref_squeeze %dma_start3A_496 : memref<1x4x50x64xf32, #tpu.memory_space<vmem>> -> memref<4x50x64xf32, #tpu.memory_space<vmem>>
    tpu.enqueue_dma source(%dma_start3A_497 : memref<4x50x64xf32, #tpu.memory_space<vmem>>) target(%dma_start3A_492 : memref<4x50x64xf32, #tpu.memory_space<hbm>>) target_semaphore(%arg14 : memref<!tpu.dma_semaphore, #tpu.memory_space<semaphore_mem>>)
    %add3A_498 = arith.constant 496 : i32
    %add3A_499 = arith.addi %mul3A_2, %add3A_498 : i32
    %dma_wait3A_500 = arith.constant 0 : i32
    %dma_wait3A_501 = arith.constant 0 : i32
    %dma_wait3A_502 = arith.constant 0 : i32
    %dma_wait3A_503 = arith.constant 0 : i32
    %dma_wait3A_504 = tpu.memref_slice %arg6[%dma_wait3A_500, %dma_wait3A_501, %dma_wait3A_502, %dma_wait3A_503] : memref<4x4x50x64xf32, #tpu.memory_space<vmem>> -> memref<1x4x50x64xf32, #tpu.memory_space<vmem>>
    %dma_wait3A_505 = tpu.memref_squeeze %dma_wait3A_504 : memref<1x4x50x64xf32, #tpu.memory_space<vmem>> -> memref<4x50x64xf32, #tpu.memory_space<vmem>>
    %dma_wait3A_506 = arith.constant 0 : i32
    %dma_wait3A_507 = arith.constant 0 : i32
    %dma_wait3A_508 = tpu.memref_slice %arg4[%add3A_499, %dma_wait3A_506, %dma_wait3A_507] : memref<16384x50x64xf32, #tpu.memory_space<hbm>> -> memref<4x50x64xf32, #tpu.memory_space<hbm>>
    %dma_wait3A_509 = arith.constant 0 : i32
    %dma_wait3A_510 = arith.constant 0 : i32
    %dma_wait3A_511 = tpu.memref_slice %arg4[%add3A_499, %dma_wait3A_509, %dma_wait3A_510] : memref<16384x50x64xf32, #tpu.memory_space<hbm>> -> memref<4x50x64xf32, #tpu.memory_space<hbm>>
    %dma_wait3A_512 = arith.constant 0 : i32
    %dma_wait3A_513 = arith.constant 0 : i32
    %dma_wait3A_514 = arith.constant 0 : i32
    %dma_wait3A_515 = tpu.memref_slice %arg6[%dma_wait3A_500, %dma_wait3A_512, %dma_wait3A_513, %dma_wait3A_514] : memref<4x4x50x64xf32, #tpu.memory_space<vmem>> -> memref<1x4x50x64xf32, #tpu.memory_space<vmem>>
    %dma_wait3A_516 = tpu.memref_squeeze %dma_wait3A_515 : memref<1x4x50x64xf32, #tpu.memory_space<vmem>> -> memref<4x50x64xf32, #tpu.memory_space<vmem>>
    tpu.wait_dma2 semaphore(%arg11 : memref<!tpu.dma_semaphore, #tpu.memory_space<semaphore_mem>>) src(%dma_wait3A_516 : memref<4x50x64xf32, #tpu.memory_space<vmem>>) dst(%dma_wait3A_511 : memref<4x50x64xf32, #tpu.memory_space<hbm>>)
    %add3A_517 = arith.constant 500 : i32
    %add3A_518 = arith.addi %mul3A_2, %add3A_517 : i32
    %dma_wait3A_519 = arith.constant 1 : i32
    %dma_wait3A_520 = arith.constant 0 : i32
    %dma_wait3A_521 = arith.constant 0 : i32
    %dma_wait3A_522 = arith.constant 0 : i32
    %dma_wait3A_523 = tpu.memref_slice %arg6[%dma_wait3A_519, %dma_wait3A_520, %dma_wait3A_521, %dma_wait3A_522] : memref<4x4x50x64xf32, #tpu.memory_space<vmem>> -> memref<1x4x50x64xf32, #tpu.memory_space<vmem>>
    %dma_wait3A_524 = tpu.memref_squeeze %dma_wait3A_523 : memref<1x4x50x64xf32, #tpu.memory_space<vmem>> -> memref<4x50x64xf32, #tpu.memory_space<vmem>>
    %dma_wait3A_525 = arith.constant 0 : i32
    %dma_wait3A_526 = arith.constant 0 : i32
    %dma_wait3A_527 = tpu.memref_slice %arg4[%add3A_518, %dma_wait3A_525, %dma_wait3A_526] : memref<16384x50x64xf32, #tpu.memory_space<hbm>> -> memref<4x50x64xf32, #tpu.memory_space<hbm>>
    %dma_wait3A_528 = arith.constant 0 : i32
    %dma_wait3A_529 = arith.constant 0 : i32
    %dma_wait3A_530 = tpu.memref_slice %arg4[%add3A_518, %dma_wait3A_528, %dma_wait3A_529] : memref<16384x50x64xf32, #tpu.memory_space<hbm>> -> memref<4x50x64xf32, #tpu.memory_space<hbm>>
    %dma_wait3A_531 = arith.constant 0 : i32
    %dma_wait3A_532 = arith.constant 0 : i32
    %dma_wait3A_533 = arith.constant 0 : i32
    %dma_wait3A_534 = tpu.memref_slice %arg6[%dma_wait3A_519, %dma_wait3A_531, %dma_wait3A_532, %dma_wait3A_533] : memref<4x4x50x64xf32, #tpu.memory_space<vmem>> -> memref<1x4x50x64xf32, #tpu.memory_space<vmem>>
    %dma_wait3A_535 = tpu.memref_squeeze %dma_wait3A_534 : memref<1x4x50x64xf32, #tpu.memory_space<vmem>> -> memref<4x50x64xf32, #tpu.memory_space<vmem>>
    tpu.wait_dma2 semaphore(%arg12 : memref<!tpu.dma_semaphore, #tpu.memory_space<semaphore_mem>>) src(%dma_wait3A_535 : memref<4x50x64xf32, #tpu.memory_space<vmem>>) dst(%dma_wait3A_530 : memref<4x50x64xf32, #tpu.memory_space<hbm>>)
    %add3A_536 = arith.constant 504 : i32
    %add3A_537 = arith.addi %mul3A_2, %add3A_536 : i32
    %dma_wait3A_538 = arith.constant 2 : i32
    %dma_wait3A_539 = arith.constant 0 : i32
    %dma_wait3A_540 = arith.constant 0 : i32
    %dma_wait3A_541 = arith.constant 0 : i32
    %dma_wait3A_542 = tpu.memref_slice %arg6[%dma_wait3A_538, %dma_wait3A_539, %dma_wait3A_540, %dma_wait3A_541] : memref<4x4x50x64xf32, #tpu.memory_space<vmem>> -> memref<1x4x50x64xf32, #tpu.memory_space<vmem>>
    %dma_wait3A_543 = tpu.memref_squeeze %dma_wait3A_542 : memref<1x4x50x64xf32, #tpu.memory_space<vmem>> -> memref<4x50x64xf32, #tpu.memory_space<vmem>>
    %dma_wait3A_544 = arith.constant 0 : i32
    %dma_wait3A_545 = arith.constant 0 : i32
    %dma_wait3A_546 = tpu.memref_slice %arg4[%add3A_537, %dma_wait3A_544, %dma_wait3A_545] : memref<16384x50x64xf32, #tpu.memory_space<hbm>> -> memref<4x50x64xf32, #tpu.memory_space<hbm>>
    %dma_wait3A_547 = arith.constant 0 : i32
    %dma_wait3A_548 = arith.constant 0 : i32
    %dma_wait3A_549 = tpu.memref_slice %arg4[%add3A_537, %dma_wait3A_547, %dma_wait3A_548] : memref<16384x50x64xf32, #tpu.memory_space<hbm>> -> memref<4x50x64xf32, #tpu.memory_space<hbm>>
    %dma_wait3A_550 = arith.constant 0 : i32
    %dma_wait3A_551 = arith.constant 0 : i32
    %dma_wait3A_552 = arith.constant 0 : i32
    %dma_wait3A_553 = tpu.memref_slice %arg6[%dma_wait3A_538, %dma_wait3A_550, %dma_wait3A_551, %dma_wait3A_552] : memref<4x4x50x64xf32, #tpu.memory_space<vmem>> -> memref<1x4x50x64xf32, #tpu.memory_space<vmem>>
    %dma_wait3A_554 = tpu.memref_squeeze %dma_wait3A_553 : memref<1x4x50x64xf32, #tpu.memory_space<vmem>> -> memref<4x50x64xf32, #tpu.memory_space<vmem>>
    tpu.wait_dma2 semaphore(%arg13 : memref<!tpu.dma_semaphore, #tpu.memory_space<semaphore_mem>>) src(%dma_wait3A_554 : memref<4x50x64xf32, #tpu.memory_space<vmem>>) dst(%dma_wait3A_549 : memref<4x50x64xf32, #tpu.memory_space<hbm>>)
    %add3A_555 = arith.constant 508 : i32
    %add3A_556 = arith.addi %mul3A_2, %add3A_555 : i32
    %dma_wait3A_557 = arith.constant 3 : i32
    %dma_wait3A_558 = arith.constant 0 : i32
    %dma_wait3A_559 = arith.constant 0 : i32
    %dma_wait3A_560 = arith.constant 0 : i32
    %dma_wait3A_561 = tpu.memref_slice %arg6[%dma_wait3A_557, %dma_wait3A_558, %dma_wait3A_559, %dma_wait3A_560] : memref<4x4x50x64xf32, #tpu.memory_space<vmem>> -> memref<1x4x50x64xf32, #tpu.memory_space<vmem>>
    %dma_wait3A_562 = tpu.memref_squeeze %dma_wait3A_561 : memref<1x4x50x64xf32, #tpu.memory_space<vmem>> -> memref<4x50x64xf32, #tpu.memory_space<vmem>>
    %dma_wait3A_563 = arith.constant 0 : i32
    %dma_wait3A_564 = arith.constant 0 : i32
    %dma_wait3A_565 = tpu.memref_slice %arg4[%add3A_556, %dma_wait3A_563, %dma_wait3A_564] : memref<16384x50x64xf32, #tpu.memory_space<hbm>> -> memref<4x50x64xf32, #tpu.memory_space<hbm>>
    %dma_wait3A_566 = arith.constant 0 : i32
    %dma_wait3A_567 = arith.constant 0 : i32
    %dma_wait3A_568 = tpu.memref_slice %arg4[%add3A_556, %dma_wait3A_566, %dma_wait3A_567] : memref<16384x50x64xf32, #tpu.memory_space<hbm>> -> memref<4x50x64xf32, #tpu.memory_space<hbm>>
    %dma_wait3A_569 = arith.constant 0 : i32
    %dma_wait3A_570 = arith.constant 0 : i32
    %dma_wait3A_571 = arith.constant 0 : i32
    %dma_wait3A_572 = tpu.memref_slice %arg6[%dma_wait3A_557, %dma_wait3A_569, %dma_wait3A_570, %dma_wait3A_571] : memref<4x4x50x64xf32, #tpu.memory_space<vmem>> -> memref<1x4x50x64xf32, #tpu.memory_space<vmem>>
    %dma_wait3A_573 = tpu.memref_squeeze %dma_wait3A_572 : memref<1x4x50x64xf32, #tpu.memory_space<vmem>> -> memref<4x50x64xf32, #tpu.memory_space<vmem>>
    tpu.wait_dma2 semaphore(%arg14 : memref<!tpu.dma_semaphore, #tpu.memory_space<semaphore_mem>>) src(%dma_wait3A_573 : memref<4x50x64xf32, #tpu.memory_space<vmem>>) dst(%dma_wait3A_568 : memref<4x50x64xf32, #tpu.memory_space<hbm>>)
    return
  }
}

</mosaic_0001>

<sc_bundles>
// kernel: kernel.3.cloned.1.call-start
scs
__scs_entry_jumppad:
0x0: {  	(pc) =	sbr.rel $0x88, $3  }
0x1: {  	(tag) =	ssettag $0x0;
	lr =	simm.s32 $0x1  }
0x2: {  	[smem:$0x3F9F] =	sst lr;
	_ =	strace $0xD0000000  }
0x3: {  	_ = 	snop  }
0x4: {  	_ = 	snop  }
0x5: {  	_ = 	snop  }
0x6: {  	_ = 	snop  }
0x7: {  	_ = 	snop  }
__scs_overlays_trampoline_lowered:
0x8: {  	[smem:$0x3FAE] =	sst s0  }
0x9: {  	[smem:$0x3FAF] =	sst s1  }
0xa: {  	[smem:$0x3FB0] =	sst s2  }
0xb: {  	[smem:$0x3FB1] =	sst s3  }
0xc: {  	[smem:$0x3FB2] =	sst s4  }
0xd: {  	[smem:$0x3FB3] =	sst s5  }
0xe: {  	[smem:$0x3FB4] =	sst s6  }
0xf: {  	[smem:$0x3FB5] =	sst s7  }
0x10: {  	[smem:$0x3FB6] =	sst s8  }
0x11: {  	[smem:$0x3FB7] =	sst s9;
	s0 =	simm.s32 @!p0 $0x0  }
0x12: {  	s1 =	sld [smem:$0x3F9D];
	s0 =	simm.s32 @p0 $0x1  }
0x13: {  	[smem:$0x3FB8] =	sst s0;
	s0 =	simm.s32 @!p1 $0x0  }
0x14: {  	s2 =	sld [smem:$0x3F9C];
	s0 =	simm.s32 @p1 $0x1  }
0x15: {  	[smem:$0x3FB9] =	sst s0;
	s0 =	simm.s32 @!p2 $0x0  }
0x16: {  	s3 =	sld [smem:$0x3FDB];
	s0 =	simm.s32 @p2 $0x1  }
0x17: {  	s4 =	simm.s32 $0x1BF5;
	[smem:$0x3FBB] =	sst s0  }
0x18: {  	s0 =	sld [smem:$0x3F9E];
	_ =	swait.ge [sflag:s4], $0x0  }
0x19: {  	s7 =	sld [smem:$0x3F9F]  }
0x1a: {  	s8 =	sadd.s32 $0xFFFFE003, lr  }
0x1b: {  	s9 =	sadd.s32 $0xFFFFFEF7, lr;
	s5 =	simm.s32 $0xFFFFFFFF;
	p2 =	slt.u32 s8, $0xFFFFF086  }
0x1c: {  	p1 =	slt.u32 s9, $0xF7A;
	s5 =	simm.s32 @!p2 $0x0  }
0x1d: {  	s5 =	simm.s32 @p1 $0x1;
	p0 =	seq.s32 s7, s2  }
0x1e: {  	s7 =	smul.u32 @!p0 $0xF7A, s2;
	p2 =	seq.s32 @!p0 s5, $0x0  }
0x1f: {  	s9 =	smul.u32 $0xF7A, s1;
	s8 =	simm.s32 @!p0 $0x1BF5;
	p2 =	por !p2, p0  }
0x20: {  	[sflag:s8] =	ssyncset.s32 @!p0 $0xFFFFF086;
	s6 =	sadd.s32 @!p0 s3, s7;
	s7 =	simm.s32 @!p0 $0x108  }
0x21: {  	s3 =	sadd.s32 s3, s9;
	s6 =	sadd.s32 @!p0 $0x88, s6;
	s7 =	simm.s32 @p2 $0x1082  }
0x22: {  	[simem:s7], [sflag:s8] =	dma.local @!p0 [hbm:s6], $0xF7A  }
0x23: {  	s9 =	sor.u32 $0xD0000000, s2;
	s6 =	simm.s32 $0x108;
	_ =	swait.ge @!p0 [sflag:s8], $0x0  }
0x24: {  	s3 =	sadd.s32 $0x88, s3;
	s6 =	simm.s32 @!p1 $0x1082;
	[sflag:s4] =	ssyncset.s32 $0xFFFFF086  }
0x25: {  	[simem:s6], [sflag:s4] =	dma.local [hbm:s3], $0xF7A  }
0x26: {  	[smem:$0x3F9F] =	sst s1;
	(tag) =	ssettag s2;
	_ =	strace s9  }
0x27: {  	s1 =	sld [smem:$0x3FAF]  }
0x28: {  	s2 =	sld [smem:$0x3FB0]  }
0x29: {  	s4 =	sld [smem:$0x3FB2]  }
0x2a: {  	p0 =	seq.s32 s5, $0x0;
	s5 =	sld [smem:$0x3FB3]  }
0x2b: {  	s6 =	sld [smem:$0x3FB4]  }
0x2c: {  	s7 =	sld [smem:$0x3FB5]  }
0x2d: {  	s3 =	simm.s32 $0x108;
	s8 =	sld [smem:$0x3FB6]  }
0x2e: {  	s3 =	simm.s32 @!p0 $0x1082;
	s9 =	sld [smem:$0x3FB7]  }
0x2f: {  	lr =	sadd.s32 s0, s3;
	s0 =	sld [smem:$0x3FAE]  }
0x30: {  	s3 =	sld [smem:$0x3FB1]  }
0x31: {  	[smem:$0x3FBA] =	sst s10  }
0x32: {  	s10 =	sld [smem:$0x3FB8];
	_ =	sdelay $0x3  }
0x33: {  	p0 =	seq.s32 s10, $0x1;
	s10 =	sld [smem:$0x3FBA];
	_ =	sdelay $0x3  }
0x34: {  	[smem:$0x3FBA] =	sst s10  }
0x35: {  	s10 =	sld [smem:$0x3FB9];
	_ =	sdelay $0x3  }
0x36: {  	p1 =	seq.s32 s10, $0x1;
	s10 =	sld [smem:$0x3FBA];
	_ =	sdelay $0x3  }
0x37: {  	[smem:$0x3FBA] =	sst s10  }
0x38: {  	s10 =	sld [smem:$0x3FBB]  }
0x39: {  	_ = 	snop;
	(pc) =	sbr.ind lr, $3  }
0x3a: {  	_ = 	snop  }
0x3b: {  	_ = 	snop  }
0x3c: {  	p2 =	seq.s32 s10, $0x1;
	s10 =	sld [smem:$0x3FBA]  }
0x3d: {  	_ =	shalt  }
0x3e: {  	_ =	shalt  }
0x3f: {  	_ =	shalt  }
0x40: {  	_ =	shalt  }
0x41: {  	_ =	shalt  }
0x42: {  	_ =	shalt  }
0x43: {  	_ =	shalt  }
0x44: {  	_ =	shalt  }
0x45: {  	_ =	shalt  }
0x46: {  	_ =	shalt  }
0x47: {  	_ =	shalt  }
0x48: {  	_ =	shalt  }
0x49: {  	_ =	shalt  }
0x4a: {  	_ =	shalt  }
0x4b: {  	_ =	shalt  }
0x4c: {  	_ =	shalt  }
0x4d: {  	_ =	shalt  }
0x4e: {  	_ =	shalt  }
0x4f: {  	_ =	shalt  }
0x50: {  	_ =	shalt  }
0x51: {  	_ =	shalt  }
0x52: {  	_ =	shalt  }
0x53: {  	_ =	shalt  }
0x54: {  	_ =	shalt  }
0x55: {  	_ =	shalt  }
0x56: {  	_ =	shalt  }
0x57: {  	_ =	shalt  }
0x58: {  	_ =	shalt  }
0x59: {  	_ =	shalt  }
0x5a: {  	_ =	shalt  }
0x5b: {  	_ =	shalt  }
0x5c: {  	_ =	shalt  }
0x5d: {  	_ =	shalt  }
0x5e: {  	_ =	shalt  }
0x5f: {  	_ =	shalt  }
0x60: {  	_ =	shalt  }
0x61: {  	_ =	shalt  }
0x62: {  	_ =	shalt  }
0x63: {  	_ =	shalt  }
0x64: {  	_ =	shalt  }
0x65: {  	_ =	shalt  }
0x66: {  	_ =	shalt  }
0x67: {  	_ =	shalt  }
0x68: {  	_ =	shalt  }
0x69: {  	_ =	shalt  }
0x6a: {  	_ =	shalt  }
0x6b: {  	_ =	shalt  }
0x6c: {  	_ =	shalt  }
0x6d: {  	_ =	shalt  }
0x6e: {  	_ =	shalt  }
0x6f: {  	_ =	shalt  }
0x70: {  	_ =	shalt  }
0x71: {  	_ =	shalt  }
0x72: {  	_ =	shalt  }
0x73: {  	_ =	shalt  }
0x74: {  	_ =	shalt  }
0x75: {  	_ =	shalt  }
0x76: {  	_ =	shalt  }
0x77: {  	_ =	shalt  }
0x78: {  	_ =	shalt  }
0x79: {  	_ =	shalt  }
0x7a: {  	_ =	shalt  }
0x7b: {  	_ =	shalt  }
0x7c: {  	_ =	shalt  }
0x7d: {  	_ =	shalt  }
0x7e: {  	_ =	shalt  }
0x7f: {  	_ =	shalt  }
0x80: {  	_ =	shalt  }
0x81: {  	_ =	shalt  }
0x82: {  	_ =	shalt  }
0x83: {  	_ =	shalt  }
0x84: {  	_ =	shalt  }
0x85: {  	_ =	shalt  }
0x86: {  	_ =	shalt  }
0x87: {  	_ =	shalt  }
.Lfunc_end0:
.L_simem_size_0:
called_computation.1_lowered:
.L_overlay_start_0:
0x88: {  	s2 =	sld [smem:$0x3FD9]  }
0x89: {  	s3 =	sld [smem:$0x3FFE];
	_ =	sdelay $0x1  }
0x8a: {  	s1 =	srdreg.scid  }
0x8b: {  	s0 =	sand.u32 $0x1, s1  }
0x8c: {  	s17 =	sshll.u32 s0, $0xA;
	s2 =	sadd.s32 s3, s2  }
0x8d: {  	s2 =	sadd.s32 s2, s17  }
0x8e: {  	[smem:$0x3FC6] =	sst s2  }
0x8f: {  	_ = 	snop  }
0x90: {  	s2 =	sld [smem:$0x3FD0];
	(tm) =	ssettm $0x1  }
0x91: {  	s18 =	sld [smem:$0x3FFB];
	_ =	sdelay $0x3  }
0x92: {  	_ =	strace s18  }
0x93: {  	s3 =	sld [smem:$0x3FFC];
	_ =	sdelay $0x3  }
0x94: {  	_ =	strace s3  }
0x95: {  	s3 =	sld [smem:$0x3FFD];
	_ =	sdelay $0x3  }
0x96: {  	_ =	strace s3  }
0x97: {  	_ =	strace $0x8FFFFFFF  }
0x98: {  	s19 =	sld [smem:$0x3FDB];
	_ =	sdelay $0x1  }
0x99: {  	s4 =	simm.s32 $_scs_section_size  }
0x9a: {  	s5 =	simm.s32 $_size__tile_overlayer_lowered;
	s6 =	simm.s32 $_tile_overlayer_lowered  }
0x9b: {  	s22 =	simm.s32 $0x1BFF;
	s21 =	sshll.u32 s6, $0x1;
	s3 =	sadd.s32 s4, s19  }
0x9c: {  	s7 =	simm.s32 $0x0;
	s20 =	sshll.u32 s5, $0x1;
	s5 =	sadd.s32 s21, s3  }
0x9d: {  	[timem:s7], [sflag:s22] =	dma.local [hbm:s5], s20  }
0x9e: {  	_ =	swait.ge [sflag:s22], s20  }
0x9f: {  	s4 =	ssub.s32 $0x0, s20;
	[sflag:s22] =	ssyncset.done $0x0  }
0xa0: {  	[sflag:s22] =	ssyncadd.s32 s4;
	_ =	sdelay $0x1  }
0xa1: {  	s23 =	simm.s32 $0x1B8B  }
0xa2: {  	_ =	swait.ge [sflag:s23], $0x1  }
0xa3: {  	[sflag:s23] =	ssyncset.done $0x0  }
0xa4: {  	s25 =	simm.s32 $0x1B8E;
	s24 =	sld [smem:$0x3FFE];
	[sflag:s23] =	ssyncadd.s32 $0xFFFFFFFF  }
0xa5: {  	s26 =	simm.s32 $execute0_lowered;
	[smem:$0x3FD2] =	sst s25  }
0xa6: {  	s5 =	sshll.u32 s26, $0x1;
	_ =	strace $0x80000046;
	[dreg:$0x1] =	wrdreg $0xFFFFFFFF  }
0xa7: {  	s28 =	simm.s32 $_size_execute0_lowered;
	s3 =	sadd.s32 s3, s5;
	[dreg:$0x0] =	wrdreg $0x0  }
0xa8: {  	s5 =	sshll.u32 s28, $0x1;
	[dreg:$0x2] =	wrdreg s3  }
0xa9: {  	[dreg:$0x3] =	wrdreg s5  }
0xaa: {  	[dreg:$0x4] =	wrdreg $0xC0  }
0xab: {  	_ =	task [dreg:s7], $0x5FFFF  }
0xac: {  	[dreg:$0x1] =	wrdreg $0xFFFFFFFF  }
0xad: {  	[dreg:$0x0] =	wrdreg $0x60  }
0xae: {  	[dreg:$0x2] =	wrdreg s24  }
0xaf: {  	[dreg:$0x3] =	wrdreg s2  }
0xb0: {  	[dreg:$0x4] =	wrdreg $0x9  }
0xb1: {  	_ =	task.clear_ibuf [dreg:s7], $0x5FFFF;
	_ =	strace $0x90000046  }
0xb2: {  	s29 =	simm.s32 $0x9;
	_ =	strace $0x80000048  }
0xb3: {  	_ =	swait.ge [sflag:s29], $0x1  }
0xb4: {  	[sflag:s29] =	ssyncadd.s32 $0xFFFFFFFF  }
0xb5: {  	_ =	strace $0x90000048  }
0xb6: {  	_ =	sfence  }
0xb7: {  	s30 =	sld [smem:$0x0];
	_ =	sdelay $0x2  }
0xb8: {  	s31 =	sshll.u32 s1, $0xD;
	s1 =	sshrl.u32 s1, $0x2  }
0xb9: {  	s3 =	sand.u32 $0x4000, s31;
	s1 =	sadd.s32 s1, s30  }
0xba: {  	s0 =	sor.u32 s3, s0;
	s1 =	sshll.u32 s1, $0x11  }
0xbb: {  	s0 =	sor.u32 s1, s0  }
0xbc: {  	s0 =	sadd.s32 $0x8F2B, s0  }
0xbd: {  	[sflag:s0] =	ssyncadd.remote.s32 $0x1  }
0xbe: {  	_ =	sfence.sel $0xFFFF  }
0xbf: {  	[dreg:$0x0] =	wrdreg $0xFFFFFFFF;
	(pc) =	sbr.abs _section_cstart, $3  }
0xc0: {  	[dreg:$0x1] =	wrdreg $0xFFFFFFFF  }
0xc1: {  	_ =	task.clear_ibuf [dreg:s7], $0x2FFFF;
	_ =	strace $0x9FFFFFFF  }
0xc2: {  	(tm) =	ssettm $0x7FFFFFFF  }
0xc3: {  	_ =	shalt  }
tec
execute0_lowered:
.L_overlay_start_1:
0x0: {  	(tag) =	ssettag $0x1  }
0x1: {  	s0 =	srdreg.scid  }
0x2: {  	s8 =	stileid.u32;
	s1 =	rddreg [dreg:$0x0]  }
0x3: {  	s4 =	rddreg [dreg:$0x1];
	s12 =	simm.s32 $0x32;
	s13 =	simm.s32 $0x7000  }
0x4: {  	s15 =	simm.s32 $0x7C80;
	s17 =	simm.s32 $0x8900;
	s19 =	simm.s32 $0x9580  }
0x5: {  	s28 =	simm.s32 $0xC780;
	s30 =	simm.s32 $0xD400;
	s14 =	simm.s32 $0xED00  }
0x6: {  	s18 =	simm.s32 $0xF980;
	s31 =	simm.s32 $0x11F00;
	s16 =	simm.s32 $0x12B80  }
0x7: {  	s20 =	simm.s32 $0x1;
	s29 =	simm.s32 $0x3;
	s0 =	sand.u32 $0x1, s0  }
0x8: {  	s2 =	sshll.u32 s8, $0xA;
	s22 =	smul.u32 $0x64000, s8;
	s3 =	sshll.u32 s0, $0x9  }
0x9: {  	s7 =	ssub.s32 $0x2, s0;
	s0 =	smul.u32 $0x32000, s0;
	s3 =	sor.u32 s3, s2  }
0xa: {  	s9 =	simm.s32 $0x0;
	s2 =	simm.s32 $0x0;
	s5 =	smul.u32 $0x7, s3  }
0xb: {  	s21 =	sshrl.u32 s7, $0x1;
	[smem:$0x7FF] =	sst s2;
	s6 =	smul.u32 $0xC80, s3  }
0xc: {  	s3 =	sadd.s32 $0x1C800, s1;
	_ =	strace $0x80000047;
	s5 =	sadd.s32 s5, s1  }
0xd: {  	s6 =	sshrl.u32 s6, $0x3;
	s1 =	ssub.s32 s7, s21;
	s21 =	simm.s32 $0xA200  }
0xe: {  	s7 =	simm.s32 $0x8;
	s6 =	sadd.s32 s4, s6;
	s5 =	sadd.s32 $0x800, s5  }
0xf: {  	s4 =	sadd.s32 s22, s4;
	s1 =	smax.u32 s1, $0x1;
	[dreg:$0x3] =	wrdreg s5  }
0x10: {  	s22 =	simm.s32 $0x10600;
	s23 =	sadd.s32 $0x30700, s6;
	[dreg:$0x8] =	wrdreg s1  }
0x11: {  	s24 =	sadd.s32 $0x30D40, s6;
	s25 =	sadd.s32 $0x31380, s6;
	[dreg:$0x4] =	wrdreg s23  }
0x12: {  	s26 =	sadd.s32 $0x319C0, s6;
	s0 =	sadd.s32 s0, s4;
	[dreg:$0x5] =	wrdreg s24  }
0x13: {  	s1 =	simm.s32 $0xE080;
	s4 =	simm.s32 $0x5;
	[dreg:$0x6] =	wrdreg s25  }
0x14: {  	s5 =	simm.s32 $0x6;
	s6 =	simm.s32 $0x7;
	[dreg:$0x7] =	wrdreg s26  }
0x15: {  	[dreg:$0x9] =	wrdreg s0;
	s23 =	simm.s32 $0xAE80;
	s25 =	simm.s32 $0xBB00  }
0x16: {  	s26 =	simm.s32 $0x11280;
	s24 =	simm.s32 $0x2;
	s0 =	simm.s32 $0x4  }
.LBB2_1:
0x17: {  	[dreg:$0xa] =	wrdreg s9  }
0x18: {  	s8 =	rddreg [dreg:$0x3];
	s9 =	simm.s32 $0x9  }
0x19: {  	[tilespmem:s2], [sflag:$0x9] =	stream.linear.gather [hbm4b:s8+s2], $0x7000, $0x38;
	[tilespmem:$0x13800] =	vst v63  }
0x1a: {  	_ =	swait.ge [sflag:s9], $0x7000  }
0x1b: {  	[sflag:s9] =	ssyncset.done $0x0  }
0x1c: {  	[sflag:s9] =	ssyncadd.s32 $0xFFFF9000  }
0x1d: {  	[tilespmem:s13], [sflag:$0x1] =	stream.indirect.gather [hbm4b:s3+s12], $0x40, s2, s12, $0xb8;
	[tilespmem:$0x13800] =	vst v63  }
0x1e: {  	s10 =	simm.s32 $0x38  }
0x1f: {  	[tilespmem:s15], [sflag:$0x1] =	stream.indirect.gather [hbm4b:s3+s12], $0x40, s10, s12, $0xb8;
	[tilespmem:$0x13800] =	vst v63  }
0x20: {  	s11 =	simm.s32 $0x70  }
0x21: {  	[tilespmem:s17], [sflag:$0x1] =	stream.indirect.gather [hbm4b:s3+s12], $0x40, s11, s12, $0xb8;
	[tilespmem:$0x13800] =	vst v63  }
0x22: {  	s9 =	simm.s32 $0xA8  }
0x23: {  	[tilespmem:s19], [sflag:$0x1] =	stream.indirect.gather [hbm4b:s3+s12], $0x40, s9, s12, $0xb8;
	[tilespmem:$0x13800] =	vst v63  }
0x24: {  	s10 =	simm.s32 $0xE0  }
0x25: {  	[tilespmem:s21], [sflag:$0x2] =	stream.indirect.gather [hbm4b:s3+s12], $0x40, s10, s12, $0xb8;
	[tilespmem:$0x13800] =	vst v63  }
0x26: {  	s11 =	simm.s32 $0x118  }
0x27: {  	[tilespmem:s23], [sflag:$0x2] =	stream.indirect.gather [hbm4b:s3+s12], $0x40, s11, s12, $0xb8;
	[tilespmem:$0x13800] =	vst v63  }
0x28: {  	s9 =	simm.s32 $0x150  }
0x29: {  	[tilespmem:s25], [sflag:$0x2] =	stream.indirect.gather [hbm4b:s3+s12], $0x40, s9, s12, $0xb8;
	[tilespmem:$0x13800] =	vst v63  }
0x2a: {  	s10 =	simm.s32 $0x188  }
0x2b: {  	[tilespmem:s28], [sflag:$0x2] =	stream.indirect.gather [hbm4b:s3+s12], $0x40, s10, s12, $0xb8;
	[tilespmem:$0x13800] =	vst v63  }
0x2c: {  	s11 =	simm.s32 $0x1C0  }
0x2d: {  	[tilespmem:s30], [sflag:$0x3] =	stream.indirect.gather [hbm4b:s3+s12], $0x40, s11, s12, $0xb8;
	[tilespmem:$0x13800] =	vst v63  }
0x2e: {  	s9 =	simm.s32 $0x1F8  }
0x2f: {  	[tilespmem:s1], [sflag:$0x3] =	stream.indirect.gather [hbm4b:s3+s12], $0x40, s9, s12, $0xb8;
	[tilespmem:$0x13800] =	vst v63  }
0x30: {  	s10 =	simm.s32 $0x230  }
0x31: {  	[tilespmem:s14], [sflag:$0x3] =	stream.indirect.gather [hbm4b:s3+s12], $0x40, s10, s12, $0xb8;
	[tilespmem:$0x13800] =	vst v63  }
0x32: {  	s11 =	simm.s32 $0x268  }
0x33: {  	[tilespmem:s18], [sflag:$0x3] =	stream.indirect.gather [hbm4b:s3+s12], $0x40, s11, s12, $0xb8;
	[tilespmem:$0x13800] =	vst v63  }
0x34: {  	s9 =	simm.s32 $0x2A0  }
0x35: {  	[tilespmem:s22], [sflag:$0x4] =	stream.indirect.gather [hbm4b:s3+s12], $0x40, s9, s12, $0xb8;
	[tilespmem:$0x13800] =	vst v63  }
0x36: {  	s10 =	simm.s32 $0x2D8  }
0x37: {  	[tilespmem:s26], [sflag:$0x4] =	stream.indirect.gather [hbm4b:s3+s12], $0x40, s10, s12, $0xb8;
	[tilespmem:$0x13800] =	vst v63  }
0x38: {  	s11 =	simm.s32 $0x310  }
0x39: {  	[tilespmem:s31], [sflag:$0x4] =	stream.indirect.gather [hbm4b:s3+s12], $0x40, s11, s12, $0xb8;
	[tilespmem:$0x13800] =	vst v63  }
0x3a: {  	s9 =	simm.s32 $0x348  }
0x3b: {  	[tilespmem:s16], [sflag:$0x4] =	stream.indirect.gather [hbm4b:s3+s12], $0x40, s9, s12, $0xb8;
	[tilespmem:$0x13800] =	vst v63  }
0x3c: {  	_ =	swait.ge [sflag:s20], $0xC80  }
0x3d: {  	[sflag:s20] =	ssyncset.done $0x0  }
0x3e: {  	[sflag:s20] =	ssyncadd.s32 $0xFFFFF380  }
0x3f: {  	_ =	swait.ge [sflag:s20], $0xC80  }
0x40: {  	[sflag:s20] =	ssyncset.done $0x0  }
0x41: {  	[sflag:s20] =	ssyncadd.s32 $0xFFFFF380  }
0x42: {  	_ =	swait.ge [sflag:s20], $0xC80  }
0x43: {  	[sflag:s20] =	ssyncset.done $0x0  }
0x44: {  	[sflag:s20] =	ssyncadd.s32 $0xFFFFF380  }
0x45: {  	_ =	swait.ge [sflag:s20], $0xC80  }
0x46: {  	[sflag:s20] =	ssyncset.done $0x0  }
0x47: {  	s8 =	rddreg [dreg:$0x9];
	[sflag:s20] =	ssyncadd.s32 $0xFFFFF380  }
0x48: {  	[hbm4b:s8+s2] =	stream.linear.scatter [tilespmem:s13], [sflag:$0x5], $0x3200, $0x38;
	[tilespmem:$0x13800] =	vst v63  }
0x49: {  	_ =	swait.ge [sflag:s24], $0xC80  }
0x4a: {  	[sflag:s24] =	ssyncset.done $0x0  }
0x4b: {  	[sflag:s24] =	ssyncadd.s32 $0xFFFFF380  }
0x4c: {  	_ =	swait.ge [sflag:s24], $0xC80  }
0x4d: {  	[sflag:s24] =	ssyncset.done $0x0  }
0x4e: {  	[sflag:s24] =	ssyncadd.s32 $0xFFFFF380  }
0x4f: {  	_ =	swait.ge [sflag:s24], $0xC80  }
0x50: {  	[sflag:s24] =	ssyncset.done $0x0  }
0x51: {  	[sflag:s24] =	ssyncadd.s32 $0xFFFFF380  }
0x52: {  	_ =	swait.ge [sflag:s24], $0xC80  }
0x53: {  	[sflag:s24] =	ssyncset.done $0x0  }
0x54: {  	s10 =	sadd.s32 $0x640, s8;
	[sflag:s24] =	ssyncadd.s32 $0xFFFFF380  }
0x55: {  	[hbm4b:s10+s2] =	stream.linear.scatter [tilespmem:s21], [sflag:$0x6], $0x3200, $0x38;
	[tilespmem:$0x13800] =	vst v63  }
0x56: {  	_ =	swait.ge [sflag:s29], $0xC80  }
0x57: {  	[sflag:s29] =	ssyncset.done $0x0  }
0x58: {  	[sflag:s29] =	ssyncadd.s32 $0xFFFFF380  }
0x59: {  	_ =	swait.ge [sflag:s29], $0xC80  }
0x5a: {  	[sflag:s29] =	ssyncset.done $0x0  }
0x5b: {  	[sflag:s29] =	ssyncadd.s32 $0xFFFFF380  }
0x5c: {  	_ =	swait.ge [sflag:s29], $0xC80  }
0x5d: {  	[sflag:s29] =	ssyncset.done $0x0  }
0x5e: {  	[sflag:s29] =	ssyncadd.s32 $0xFFFFF380  }
0x5f: {  	_ =	swait.ge [sflag:s29], $0xC80  }
0x60: {  	[sflag:s29] =	ssyncset.done $0x0  }
0x61: {  	s11 =	sadd.s32 $0xC80, s8;
	[sflag:s29] =	ssyncadd.s32 $0xFFFFF380  }
0x62: {  	[hbm4b:s11+s2] =	stream.linear.scatter [tilespmem:s30], [sflag:$0x7], $0x3200, $0x38;
	[tilespmem:$0x13800] =	vst v63  }
0x63: {  	_ =	swait.ge [sflag:s0], $0xC80  }
0x64: {  	[sflag:s0] =	ssyncset.done $0x0  }
0x65: {  	[sflag:s0] =	ssyncadd.s32 $0xFFFFF380  }
0x66: {  	_ =	swait.ge [sflag:s0], $0xC80  }
0x67: {  	[sflag:s0] =	ssyncset.done $0x0  }
0x68: {  	[sflag:s0] =	ssyncadd.s32 $0xFFFFF380  }
0x69: {  	_ =	swait.ge [sflag:s0], $0xC80  }
0x6a: {  	[sflag:s0] =	ssyncset.done $0x0  }
0x6b: {  	[sflag:s0] =	ssyncadd.s32 $0xFFFFF380  }
0x6c: {  	_ =	swait.ge [sflag:s0], $0xC80  }
0x6d: {  	[sflag:s0] =	ssyncset.done $0x0  }
0x6e: {  	s10 =	sadd.s32 $0x12C0, s8;
	[sflag:s0] =	ssyncadd.s32 $0xFFFFF380  }
0x6f: {  	[hbm4b:s10+s2] =	stream.linear.scatter [tilespmem:s22], [sflag:$0x8], $0x3200, $0x38;
	[tilespmem:$0x13800] =	vst v63  }
0x70: {  	_ =	swait.ge [sflag:s4], $0x3200  }
0x71: {  	[sflag:s4] =	ssyncset.done $0x0  }
0x72: {  	s11 =	simm.s32 $0x380;
	[sflag:s4] =	ssyncadd.s32 $0xFFFFCE00  }
0x73: {  	[tilespmem:s13], [sflag:$0x1] =	stream.indirect.gather [hbm4b:s3+s12], $0x40, s11, s12, $0xb8;
	[tilespmem:$0x13800] =	vst v63  }
0x74: {  	s10 =	simm.s32 $0x3B8  }
0x75: {  	[tilespmem:s15], [sflag:$0x1] =	stream.indirect.gather [hbm4b:s3+s12], $0x40, s10, s12, $0xb8;
	[tilespmem:$0x13800] =	vst v63  }
0x76: {  	s11 =	simm.s32 $0x3F0  }
0x77: {  	[tilespmem:s17], [sflag:$0x1] =	stream.indirect.gather [hbm4b:s3+s12], $0x40, s11, s12, $0xb8;
	[tilespmem:$0x13800] =	vst v63  }
0x78: {  	s10 =	simm.s32 $0x428  }
0x79: {  	[tilespmem:s19], [sflag:$0x1] =	stream.indirect.gather [hbm4b:s3+s12], $0x40, s10, s12, $0xb8;
	[tilespmem:$0x13800] =	vst v63  }
0x7a: {  	_ =	swait.ge [sflag:s5], $0x3200  }
0x7b: {  	[sflag:s5] =	ssyncset.done $0x0  }
0x7c: {  	s11 =	simm.s32 $0x460;
	[sflag:s5] =	ssyncadd.s32 $0xFFFFCE00  }
0x7d: {  	[tilespmem:s21], [sflag:$0x2] =	stream.indirect.gather [hbm4b:s3+s12], $0x40, s11, s12, $0xb8;
	[tilespmem:$0x13800] =	vst v63  }
0x7e: {  	s10 =	simm.s32 $0x498  }
0x7f: {  	[tilespmem:s23], [sflag:$0x2] =	stream.indirect.gather [hbm4b:s3+s12], $0x40, s10, s12, $0xb8;
	[tilespmem:$0x13800] =	vst v63  }
0x80: {  	s11 =	simm.s32 $0x4D0  }
0x81: {  	[tilespmem:s25], [sflag:$0x2] =	stream.indirect.gather [hbm4b:s3+s12], $0x40, s11, s12, $0xb8;
	[tilespmem:$0x13800] =	vst v63  }
0x82: {  	s10 =	simm.s32 $0x508  }
0x83: {  	[tilespmem:s28], [sflag:$0x2] =	stream.indirect.gather [hbm4b:s3+s12], $0x40, s10, s12, $0xb8;
	[tilespmem:$0x13800] =	vst v63  }
0x84: {  	_ =	swait.ge [sflag:s6], $0x3200  }
0x85: {  	[sflag:s6] =	ssyncset.done $0x0  }
0x86: {  	s11 =	simm.s32 $0x540;
	[sflag:s6] =	ssyncadd.s32 $0xFFFFCE00  }
0x87: {  	[tilespmem:s30], [sflag:$0x3] =	stream.indirect.gather [hbm4b:s3+s12], $0x40, s11, s12, $0xb8;
	[tilespmem:$0x13800] =	vst v63  }
0x88: {  	s10 =	simm.s32 $0x578  }
0x89: {  	[tilespmem:s1], [sflag:$0x3] =	stream.indirect.gather [hbm4b:s3+s12], $0x40, s10, s12, $0xb8;
	[tilespmem:$0x13800] =	vst v63  }
0x8a: {  	s11 =	simm.s32 $0x5B0  }
0x8b: {  	[tilespmem:s14], [sflag:$0x3] =	stream.indirect.gather [hbm4b:s3+s12], $0x40, s11, s12, $0xb8;
	[tilespmem:$0x13800] =	vst v63  }
0x8c: {  	s10 =	simm.s32 $0x5E8  }
0x8d: {  	[tilespmem:s18], [sflag:$0x3] =	stream.indirect.gather [hbm4b:s3+s12], $0x40, s10, s12, $0xb8;
	[tilespmem:$0x13800] =	vst v63  }
0x8e: {  	_ =	swait.ge [sflag:s7], $0x3200  }
0x8f: {  	[sflag:s7] =	ssyncset.done $0x0  }
0x90: {  	s11 =	simm.s32 $0x620;
	[sflag:s7] =	ssyncadd.s32 $0xFFFFCE00  }
0x91: {  	[tilespmem:s22], [sflag:$0x4] =	stream.indirect.gather [hbm4b:s3+s12], $0x40, s11, s12, $0xb8;
	[tilespmem:$0x13800] =	vst v63  }
0x92: {  	s10 =	simm.s32 $0x658  }
0x93: {  	[tilespmem:s26], [sflag:$0x4] =	stream.indirect.gather [hbm4b:s3+s12], $0x40, s10, s12, $0xb8;
	[tilespmem:$0x13800] =	vst v63  }
0x94: {  	s11 =	simm.s32 $0x690  }
0x95: {  	[tilespmem:s31], [sflag:$0x4] =	stream.indirect.gather [hbm4b:s3+s12], $0x40, s11, s12, $0xb8;
	[tilespmem:$0x13800] =	vst v63  }
0x96: {  	s9 =	simm.s32 $0xE00;
	s10 =	simm.s32 $0x6C8;
	s11 =	sadd.s32 $0x1900, s8  }
.LBB2_2:
0x97: {  	[tilespmem:s16], [sflag:$0x4] =	stream.indirect.gather [hbm4b:s3+s12], $0x40, s10, s12, $0xb8;
	[tilespmem:$0x13800] =	vst v63  }
0x98: {  	s10 =	smov.u32 s9  }
0x99: {  	p0 =	sne.s32 s9, $0x1A400;
	s9 =	sadd.s32 $0xE00, s9;
	_ =	swait.ge [sflag:s20], $0xC80  }
0x9a: {  	[sflag:s20] =	ssyncset.done $0x0  }
0x9b: {  	[sflag:s20] =	ssyncadd.s32 $0xFFFFF380  }
0x9c: {  	_ =	swait.ge [sflag:s20], $0xC80  }
0x9d: {  	[sflag:s20] =	ssyncset.done $0x0  }
0x9e: {  	[sflag:s20] =	ssyncadd.s32 $0xFFFFF380  }
0x9f: {  	_ =	swait.ge [sflag:s20], $0xC80  }
0xa0: {  	[sflag:s20] =	ssyncset.done $0x0  }
0xa1: {  	[sflag:s20] =	ssyncadd.s32 $0xFFFFF380  }
0xa2: {  	_ =	swait.ge [sflag:s20], $0xC80  }
0xa3: {  	[sflag:s20] =	ssyncset.done $0x0  }
0xa4: {  	[sflag:s20] =	ssyncadd.s32 $0xFFFFF380  }
0xa5: {  	[hbm4b:s11+s2] =	stream.linear.scatter [tilespmem:s13], [sflag:$0x5], $0x3200, $0x38;
	[tilespmem:$0x13800] =	vst v63  }
0xa6: {  	_ =	swait.ge [sflag:s24], $0xC80  }
0xa7: {  	[sflag:s24] =	ssyncset.done $0x0  }
0xa8: {  	[sflag:s24] =	ssyncadd.s32 $0xFFFFF380  }
0xa9: {  	_ =	swait.ge [sflag:s24], $0xC80  }
0xaa: {  	[sflag:s24] =	ssyncset.done $0x0  }
0xab: {  	[sflag:s24] =	ssyncadd.s32 $0xFFFFF380  }
0xac: {  	_ =	swait.ge [sflag:s24], $0xC80  }
0xad: {  	[sflag:s24] =	ssyncset.done $0x0  }
0xae: {  	[sflag:s24] =	ssyncadd.s32 $0xFFFFF380  }
0xaf: {  	_ =	swait.ge [sflag:s24], $0xC80  }
0xb0: {  	[sflag:s24] =	ssyncset.done $0x0  }
0xb1: {  	s8 =	sadd.s32 $0x640, s11;
	[sflag:s24] =	ssyncadd.s32 $0xFFFFF380  }
0xb2: {  	[hbm4b:s8+s2] =	stream.linear.scatter [tilespmem:s21], [sflag:$0x6], $0x3200, $0x38;
	[tilespmem:$0x13800] =	vst v63  }
0xb3: {  	_ =	swait.ge [sflag:s29], $0xC80  }
0xb4: {  	[sflag:s29] =	ssyncset.done $0x0  }
0xb5: {  	[sflag:s29] =	ssyncadd.s32 $0xFFFFF380  }
0xb6: {  	_ =	swait.ge [sflag:s29], $0xC80  }
0xb7: {  	[sflag:s29] =	ssyncset.done $0x0  }
0xb8: {  	[sflag:s29] =	ssyncadd.s32 $0xFFFFF380  }
0xb9: {  	_ =	swait.ge [sflag:s29], $0xC80  }
0xba: {  	[sflag:s29] =	ssyncset.done $0x0  }
0xbb: {  	[sflag:s29] =	ssyncadd.s32 $0xFFFFF380  }
0xbc: {  	_ =	swait.ge [sflag:s29], $0xC80  }
0xbd: {  	[sflag:s29] =	ssyncset.done $0x0  }
0xbe: {  	s8 =	sadd.s32 $0xC80, s11;
	[sflag:s29] =	ssyncadd.s32 $0xFFFFF380  }
0xbf: {  	[hbm4b:s8+s2] =	stream.linear.scatter [tilespmem:s30], [sflag:$0x7], $0x3200, $0x38;
	[tilespmem:$0x13800] =	vst v63  }
0xc0: {  	_ =	swait.ge [sflag:s0], $0xC80  }
0xc1: {  	[sflag:s0] =	ssyncset.done $0x0  }
0xc2: {  	[sflag:s0] =	ssyncadd.s32 $0xFFFFF380  }
0xc3: {  	_ =	swait.ge [sflag:s0], $0xC80  }
0xc4: {  	[sflag:s0] =	ssyncset.done $0x0  }
0xc5: {  	[sflag:s0] =	ssyncadd.s32 $0xFFFFF380  }
0xc6: {  	_ =	swait.ge [sflag:s0], $0xC80  }
0xc7: {  	[sflag:s0] =	ssyncset.done $0x0  }
0xc8: {  	[sflag:s0] =	ssyncadd.s32 $0xFFFFF380  }
0xc9: {  	_ =	swait.ge [sflag:s0], $0xC80  }
0xca: {  	[sflag:s0] =	ssyncset.done $0x0  }
0xcb: {  	s8 =	sadd.s32 $0x12C0, s11;
	[sflag:s0] =	ssyncadd.s32 $0xFFFFF380  }
0xcc: {  	[hbm4b:s8+s2] =	stream.linear.scatter [tilespmem:s22], [sflag:$0x8], $0x3200, $0x38;
	[tilespmem:$0x13800] =	vst v63  }
0xcd: {  	_ =	swait.ge [sflag:s4], $0x3200  }
0xce: {  	s10 =	sshra.s32 s10, $0x2;
	[sflag:s4] =	ssyncset.done $0x0  }
0xcf: {  	s8 =	sadd.s32 $0x380, s10;
	[sflag:s4] =	ssyncadd.s32 $0xFFFFCE00  }
0xd0: {  	[tilespmem:s13], [sflag:$0x1] =	stream.indirect.gather [hbm4b:s3+s12], $0x40, s8, s12, $0xb8;
	[tilespmem:$0x13800] =	vst v63  }
0xd1: {  	s8 =	sadd.s32 $0x3B8, s10  }
0xd2: {  	[tilespmem:s15], [sflag:$0x1] =	stream.indirect.gather [hbm4b:s3+s12], $0x40, s8, s12, $0xb8;
	[tilespmem:$0x13800] =	vst v63  }
0xd3: {  	s8 =	sadd.s32 $0x3F0, s10  }
0xd4: {  	[tilespmem:s17], [sflag:$0x1] =	stream.indirect.gather [hbm4b:s3+s12], $0x40, s8, s12, $0xb8;
	[tilespmem:$0x13800] =	vst v63  }
0xd5: {  	s8 =	sadd.s32 $0x428, s10  }
0xd6: {  	[tilespmem:s19], [sflag:$0x1] =	stream.indirect.gather [hbm4b:s3+s12], $0x40, s8, s12, $0xb8;
	[tilespmem:$0x13800] =	vst v63  }
0xd7: {  	_ =	swait.ge [sflag:s5], $0x3200  }
0xd8: {  	[sflag:s5] =	ssyncset.done $0x0  }
0xd9: {  	s8 =	sadd.s32 $0x460, s10;
	[sflag:s5] =	ssyncadd.s32 $0xFFFFCE00  }
0xda: {  	[tilespmem:s21], [sflag:$0x2] =	stream.indirect.gather [hbm4b:s3+s12], $0x40, s8, s12, $0xb8;
	[tilespmem:$0x13800] =	vst v63  }
0xdb: {  	s8 =	sadd.s32 $0x498, s10  }
0xdc: {  	[tilespmem:s23], [sflag:$0x2] =	stream.indirect.gather [hbm4b:s3+s12], $0x40, s8, s12, $0xb8;
	[tilespmem:$0x13800] =	vst v63  }
0xdd: {  	s8 =	sadd.s32 $0x4D0, s10  }
0xde: {  	[tilespmem:s25], [sflag:$0x2] =	stream.indirect.gather [hbm4b:s3+s12], $0x40, s8, s12, $0xb8;
	[tilespmem:$0x13800] =	vst v63  }
0xdf: {  	s8 =	sadd.s32 $0x508, s10  }
0xe0: {  	[tilespmem:s28], [sflag:$0x2] =	stream.indirect.gather [hbm4b:s3+s12], $0x40, s8, s12, $0xb8;
	[tilespmem:$0x13800] =	vst v63  }
0xe1: {  	_ =	swait.ge [sflag:s6], $0x3200  }
0xe2: {  	[sflag:s6] =	ssyncset.done $0x0  }
0xe3: {  	s8 =	sadd.s32 $0x540, s10;
	[sflag:s6] =	ssyncadd.s32 $0xFFFFCE00  }
0xe4: {  	[tilespmem:s30], [sflag:$0x3] =	stream.indirect.gather [hbm4b:s3+s12], $0x40, s8, s12, $0xb8;
	[tilespmem:$0x13800] =	vst v63  }
0xe5: {  	s8 =	sadd.s32 $0x578, s10  }
0xe6: {  	[tilespmem:s1], [sflag:$0x3] =	stream.indirect.gather [hbm4b:s3+s12], $0x40, s8, s12, $0xb8;
	[tilespmem:$0x13800] =	vst v63  }
0xe7: {  	s8 =	sadd.s32 $0x5B0, s10  }
0xe8: {  	[tilespmem:s14], [sflag:$0x3] =	stream.indirect.gather [hbm4b:s3+s12], $0x40, s8, s12, $0xb8;
	[tilespmem:$0x13800] =	vst v63  }
0xe9: {  	s8 =	sadd.s32 $0x5E8, s10  }
0xea: {  	[tilespmem:s18], [sflag:$0x3] =	stream.indirect.gather [hbm4b:s3+s12], $0x40, s8, s12, $0xb8;
	[tilespmem:$0x13800] =	vst v63  }
0xeb: {  	_ =	swait.ge [sflag:s7], $0x3200  }
0xec: {  	[sflag:s7] =	ssyncset.done $0x0  }
0xed: {  	s8 =	sadd.s32 $0x620, s10;
	[sflag:s7] =	ssyncadd.s32 $0xFFFFCE00  }
0xee: {  	[tilespmem:s22], [sflag:$0x4] =	stream.indirect.gather [hbm4b:s3+s12], $0x40, s8, s12, $0xb8;
	[tilespmem:$0x13800] =	vst v63  }
.Ltmp0:
0xef: {  	s8 =	sadd.s32 $0x658, s10;
	(pc) =	sbr.rel @p0 .LBB2_2-.Ltmp0, $4  }
0xf0: {  	[tilespmem:s26], [sflag:$0x4] =	stream.indirect.gather [hbm4b:s3+s12], $0x40, s8, s12, $0xb8;
	[tilespmem:$0x13800] =	vst v63  }
0xf1: {  	s8 =	sadd.s32 $0x690, s10  }
0xf2: {  	[tilespmem:s31], [sflag:$0x4] =	stream.indirect.gather [hbm4b:s3+s12], $0x40, s8, s12, $0xb8;
	[tilespmem:$0x13800] =	vst v63  }
0xf3: {  	s11 =	sadd.s32 $0x1900, s11;
	s10 =	sadd.s32 $0x6C8, s10  }
0xf4: {  	[tilespmem:s16], [sflag:$0x4] =	stream.indirect.gather [hbm4b:s3+s12], $0x40, s10, s12, $0xb8;
	[tilespmem:$0x13800] =	vst v63  }
0xf5: {  	_ =	swait.ge [sflag:s20], $0xC80  }
0xf6: {  	[sflag:s20] =	ssyncset.done $0x0  }
0xf7: {  	[sflag:s20] =	ssyncadd.s32 $0xFFFFF380  }
0xf8: {  	_ =	swait.ge [sflag:s20], $0xC80  }
0xf9: {  	[sflag:s20] =	ssyncset.done $0x0  }
0xfa: {  	[sflag:s20] =	ssyncadd.s32 $0xFFFFF380  }
0xfb: {  	_ =	swait.ge [sflag:s20], $0xC80  }
0xfc: {  	[sflag:s20] =	ssyncset.done $0x0  }
0xfd: {  	[sflag:s20] =	ssyncadd.s32 $0xFFFFF380  }
0xfe: {  	_ =	swait.ge [sflag:s20], $0xC80  }
0xff: {  	[sflag:s20] =	ssyncset.done $0x0  }
0x100: {  	s8 =	rddreg [dreg:$0x4];
	[sflag:s20] =	ssyncadd.s32 $0xFFFFF380  }
0x101: {  	[hbm4b:s8+s2] =	stream.linear.scatter [tilespmem:s13], [sflag:$0x5], $0x3200, $0x38;
	[tilespmem:$0x13800] =	vst v63  }
0x102: {  	_ =	swait.ge [sflag:s24], $0xC80  }
0x103: {  	[sflag:s24] =	ssyncset.done $0x0  }
0x104: {  	[sflag:s24] =	ssyncadd.s32 $0xFFFFF380  }
0x105: {  	_ =	swait.ge [sflag:s24], $0xC80  }
0x106: {  	[sflag:s24] =	ssyncset.done $0x0  }
0x107: {  	[sflag:s24] =	ssyncadd.s32 $0xFFFFF380  }
0x108: {  	_ =	swait.ge [sflag:s24], $0xC80  }
0x109: {  	[sflag:s24] =	ssyncset.done $0x0  }
0x10a: {  	[sflag:s24] =	ssyncadd.s32 $0xFFFFF380  }
0x10b: {  	_ =	swait.ge [sflag:s24], $0xC80  }
0x10c: {  	[sflag:s24] =	ssyncset.done $0x0  }
0x10d: {  	s11 =	rddreg [dreg:$0x5];
	[sflag:s24] =	ssyncadd.s32 $0xFFFFF380  }
0x10e: {  	[hbm4b:s11+s2] =	stream.linear.scatter [tilespmem:s21], [sflag:$0x6], $0x3200, $0x38;
	[tilespmem:$0x13800] =	vst v63  }
0x10f: {  	_ =	swait.ge [sflag:s29], $0xC80  }
0x110: {  	[sflag:s29] =	ssyncset.done $0x0  }
0x111: {  	[sflag:s29] =	ssyncadd.s32 $0xFFFFF380  }
0x112: {  	_ =	swait.ge [sflag:s29], $0xC80  }
0x113: {  	[sflag:s29] =	ssyncset.done $0x0  }
0x114: {  	[sflag:s29] =	ssyncadd.s32 $0xFFFFF380  }
0x115: {  	_ =	swait.ge [sflag:s29], $0xC80  }
0x116: {  	[sflag:s29] =	ssyncset.done $0x0  }
0x117: {  	[sflag:s29] =	ssyncadd.s32 $0xFFFFF380  }
0x118: {  	_ =	swait.ge [sflag:s29], $0xC80  }
0x119: {  	[sflag:s29] =	ssyncset.done $0x0  }
0x11a: {  	s9 =	rddreg [dreg:$0x6];
	[sflag:s29] =	ssyncadd.s32 $0xFFFFF380  }
0x11b: {  	[hbm4b:s9+s2] =	stream.linear.scatter [tilespmem:s30], [sflag:$0x7], $0x3200, $0x38;
	[tilespmem:$0x13800] =	vst v63  }
0x11c: {  	_ =	swait.ge [sflag:s0], $0xC80  }
0x11d: {  	[sflag:s0] =	ssyncset.done $0x0  }
0x11e: {  	[sflag:s0] =	ssyncadd.s32 $0xFFFFF380  }
0x11f: {  	_ =	swait.ge [sflag:s0], $0xC80  }
0x120: {  	[sflag:s0] =	ssyncset.done $0x0  }
0x121: {  	[sflag:s0] =	ssyncadd.s32 $0xFFFFF380  }
0x122: {  	_ =	swait.ge [sflag:s0], $0xC80  }
0x123: {  	[sflag:s0] =	ssyncset.done $0x0  }
0x124: {  	[sflag:s0] =	ssyncadd.s32 $0xFFFFF380  }
0x125: {  	_ =	swait.ge [sflag:s0], $0xC80  }
0x126: {  	[sflag:s0] =	ssyncset.done $0x0  }
0x127: {  	s10 =	rddreg [dreg:$0x7];
	[sflag:s0] =	ssyncadd.s32 $0xFFFFF380  }
0x128: {  	[hbm4b:s10+s2] =	stream.linear.scatter [tilespmem:s22], [sflag:$0x8], $0x3200, $0x38;
	[tilespmem:$0x13800] =	vst v63  }
0x129: {  	_ =	swait.ge [sflag:s4], $0x3200  }
0x12a: {  	[sflag:s4] =	ssyncset.done $0x0  }
0x12b: {  	[sflag:s4] =	ssyncadd.s32 $0xFFFFCE00  }
0x12c: {  	_ =	swait.ge [sflag:s5], $0x3200  }
0x12d: {  	[sflag:s5] =	ssyncset.done $0x0  }
0x12e: {  	[sflag:s5] =	ssyncadd.s32 $0xFFFFCE00  }
0x12f: {  	_ =	swait.ge [sflag:s6], $0x3200  }
0x130: {  	[sflag:s6] =	ssyncset.done $0x0  }
0x131: {  	[sflag:s6] =	ssyncadd.s32 $0xFFFFCE00  }
0x132: {  	_ =	swait.ge [sflag:s7], $0x3200  }
0x133: {  	s9 =	rddreg [dreg:$0xa]  }
0x134: {  	s11 =	rddreg [dreg:$0x8];
	s9 =	sadd.s32 $0x1, s9  }
0x135: {  	p0 =	sne.s32 s9, s11  }
.Ltmp1:
0x136: {  	_ = 	snop;
	(pc) =	sbr.rel @p0 .LBB2_1-.Ltmp1, $3  }
0x137: {  	_ =	sdelay $0x1  }
0x138: {  	[sflag:s7] =	ssyncset.done $0x0  }
0x139: {  	[sflag:s7] =	ssyncadd.s32 $0xFFFFCE00  }
0x13a: {  	_ =	sfence.sel $0x180000  }
0x13b: {  	[bflag:$0x0] =	sbarrier.arrive $0xFFFF  }
0x13c: {  	_ =	strace $0x90000047  }
0x13d: {  	s0 =	stileid.u32;
	[bflag:$0x2] =	sbarrier.arrive $0xFFFF  }
0x13e: {  	p0 =	sne.s32 s0, $0x0;
	s0 =	rddreg [dreg:$0x2]  }
0x13f: {  	s0 =	sadd.s32 @!p0 $0x100000, s0  }
0x140: {  	[sflag:s0] =	ssyncadd.tile.s32 @!p0 $0x1;
	_ =	shalt  }
.Lfunc_end2:
_tile_overlayer_lowered:
.L_overlay_start_2:
0x141: {  	(tag) =	ssettag $0x2  }
0x142: {  	s0 =	rddreg [dreg:$0x0];
	s2 =	stileid.u32  }
0x143: {  	s1 =	rddreg [dreg:$0x1];
	p0 =	sne.s32 s2, $0x0  }
0x144: {  	s3 =	rddreg [dreg:$0x2];
	[bflag:$0x3] =	sbarrier.arrive $0xFFFF;
	s2 =	simm.s32 @!p0 $0x1C09  }
0x145: {  	[timem:s3], [sflag:s2] =	dma.local @!p0 [hbm:s0], s1  }
0x146: {  	s0 =	simm.s32 @!p0 $0x9  }
0x147: {  	_ =	swait.ge @!p0 [sflag:s0], s1  }
0x148: {  	s1 =	ssub.s32 @!p0 $0x0, s1;
	[sflag:s0] =	ssyncset.done @!p0 $0x0  }
0x149: {  	[sflag:s0] =	ssyncadd.s32 @!p0 s1  }
0x14a: {  	[bflag:$0x3] =	sbarrier.arrive $0xFFFF  }
0x14b: {  	_ =	shalt  }

// kernel: sparse-core-data-format-call.cloned.1.call-start
scs
called_computation_lowered:
.L_overlay_start_0:
0x0: {  	s2 =	sld [smem:$0x3FD9]  }
0x1: {  	s3 =	sld [smem:$0x3FFE];
	_ =	sdelay $0x1  }
0x2: {  	s1 =	srdreg.scid  }
0x3: {  	s0 =	sand.u32 $0x1, s1  }
0x4: {  	s18 =	sshll.u32 s0, $0xA;
	s2 =	sadd.s32 s3, s2  }
0x5: {  	s2 =	sadd.s32 s2, s18  }
0x6: {  	[smem:$0x3FC6] =	sst s2  }
0x7: {  	_ = 	snop  }
0x8: {  	s2 =	sld [smem:$0x3FD0];
	(tm) =	ssettm $0x1  }
0x9: {  	s19 =	sld [smem:$0x3FFB];
	_ =	sdelay $0x3  }
0xa: {  	_ =	strace s19  }
0xb: {  	s3 =	sld [smem:$0x3FFC];
	_ =	sdelay $0x3  }
0xc: {  	_ =	strace s3  }
0xd: {  	s3 =	sld [smem:$0x3FFD];
	_ =	sdelay $0x3  }
0xe: {  	_ =	strace s3  }
0xf: {  	_ =	strace $0x8FFFFFFF  }
0x10: {  	s20 =	sld [smem:$0x3FDB];
	_ =	sdelay $0x1  }
0x11: {  	s4 =	simm.s32 $_scs_section_size  }
0x12: {  	s5 =	simm.s32 $_size__tile_overlayer_lowered;
	s6 =	simm.s32 $_tile_overlayer_lowered  }
0x13: {  	s23 =	simm.s32 $0x1BFF;
	s22 =	sshll.u32 s6, $0x1;
	s3 =	sadd.s32 s4, s20  }
0x14: {  	s7 =	simm.s32 $0x0;
	s21 =	sshll.u32 s5, $0x1;
	s5 =	sadd.s32 s22, s3  }
0x15: {  	[timem:s7], [sflag:s23] =	dma.local [hbm:s5], s21  }
0x16: {  	_ =	swait.ge [sflag:s23], s21  }
0x17: {  	s4 =	ssub.s32 $0x0, s21;
	[sflag:s23] =	ssyncset.done $0x0  }
0x18: {  	[sflag:s23] =	ssyncadd.s32 s4;
	_ =	sdelay $0x1  }
0x19: {  	s24 =	simm.s32 $0x1B8B  }
0x1a: {  	_ =	swait.ge [sflag:s24], $0x1  }
0x1b: {  	[sflag:s24] =	ssyncset.done $0x0  }
0x1c: {  	s26 =	simm.s32 $0x1B8E;
	s25 =	sld [smem:$0x3FFE];
	[sflag:s24] =	ssyncadd.s32 $0xFFFFFFFF  }
0x1d: {  	s27 =	simm.s32 $execute0_lowered;
	[smem:$0x3FD2] =	sst s26  }
0x1e: {  	s5 =	sshll.u32 s27, $0x1;
	_ =	strace $0x80000049;
	[dreg:$0x1] =	wrdreg $0xFFFFFFFF  }
0x1f: {  	s28 =	simm.s32 $_size_execute0_lowered;
	s3 =	sadd.s32 s3, s5;
	[dreg:$0x0] =	wrdreg $0x0  }
0x20: {  	s5 =	sshll.u32 s28, $0x1;
	[dreg:$0x2] =	wrdreg s3  }
0x21: {  	[dreg:$0x3] =	wrdreg s5  }
0x22: {  	[dreg:$0x4] =	wrdreg $0xC0  }
0x23: {  	_ =	task [dreg:s7], $0x5FFFF  }
0x24: {  	[dreg:$0x1] =	wrdreg $0xFFFFFFFF  }
0x25: {  	[dreg:$0x0] =	wrdreg $0x60  }
0x26: {  	[dreg:$0x2] =	wrdreg s25  }
0x27: {  	[dreg:$0x3] =	wrdreg s2  }
0x28: {  	[dreg:$0x4] =	wrdreg $0x9  }
0x29: {  	_ =	task.clear_ibuf [dreg:s7], $0x5FFFF;
	_ =	strace $0x90000049  }
0x2a: {  	s29 =	simm.s32 $0x9;
	_ =	strace $0x8000004B  }
0x2b: {  	_ =	swait.ge [sflag:s29], $0x1  }
0x2c: {  	[sflag:s29] =	ssyncadd.s32 $0xFFFFFFFF  }
0x2d: {  	_ =	strace $0x9000004B  }
0x2e: {  	_ =	sfence  }
0x2f: {  	s30 =	sld [smem:$0x0];
	_ =	sdelay $0x2  }
0x30: {  	s31 =	sshll.u32 s1, $0xD;
	s1 =	sshrl.u32 s1, $0x2  }
0x31: {  	s3 =	sand.u32 $0x4000, s31;
	s1 =	sadd.s32 s1, s30  }
0x32: {  	s0 =	sor.u32 s3, s0;
	s1 =	sshll.u32 s1, $0x11  }
0x33: {  	s0 =	sor.u32 s1, s0  }
0x34: {  	s0 =	sadd.s32 $0x8F2B, s0  }
0x35: {  	[sflag:s0] =	ssyncadd.remote.s32 $0x1  }
0x36: {  	_ =	sfence.sel $0xFFFF  }
0x37: {  	[dreg:$0x0] =	wrdreg $0xFFFFFFFF;
	(pc) =	sbr.abs _section_cstart, $3  }
0x38: {  	[dreg:$0x1] =	wrdreg $0xFFFFFFFF  }
0x39: {  	_ =	task.clear_ibuf [dreg:s7], $0x2FFFF;
	_ =	strace $0x9FFFFFFF  }
0x3a: {  	(tm) =	ssettm $0x7FFFFFFF  }
0x3b: {  	_ =	shalt  }
tec
execute0_lowered:
.L_overlay_start_1:
0x0: {  	(tag) =	ssettag $0x1  }
0x1: {  	s0 =	srdreg.scid  }
0x2: {  	s1 =	sshll.u32 s0, $0x4  }
0x3: {  	s0 =	stileid.u32;
	s1 =	sand.u32 $0x10, s1  }
0x4: {  	s1 =	sor.u32 s0, s1  }
0x5: {  	s6 =	rddreg [dreg:$0x0];
	s4 =	simm.s32 $0x1;
	s2 =	sshll.u32 s1, $0x7  }
0x6: {  	s7 =	simm.s32 $0x2;
	s12 =	simm.s32 $0x0;
	s1 =	ssub.s32 $0x4000, s2  }
0x7: {  	s8 =	simm.s32 $0x20000;
	s13 =	simm.s32 $0x0;
	s3 =	sand.u32 $0xF80, s1  }
0x8: {  	s9 =	simm.s32 $0x0;
	s5 =	sshrl.u32 s1, $0xC;
	p0 =	sne.s32 s3, $0x0  }
.Ltmp0:
0x9: {  	s1 =	rddreg [dreg:$0x2];
	s4 =	simm.s32 @!p0 $0x0;
	(pc) =	sbr.rel .LBB1_1-.Ltmp0, $4  }
0xa: {  	s11 =	simm.s32 $0x0;
	s3 =	rddreg [dreg:$0x1];
	s5 =	sadd.s32 s4, s5  }
0xb: {  	_ =	strace $0x8000004A;
	s4 =	simm.s32 $0x1;
	s5 =	smul.u32 $0x32, s5  }
0xc: {  	s6 =	sadd.s32 $0x800, s6;
	s10 =	smov.u32 s2;
	[sflag:s4] =	ssyncpa.u1 $0x0  }
0xd: {  	p0 =	por $0x0, $0x0;
	[sflag:s7] =	ssyncpa.u1 $0x0;
	s7 =	sor.u32 $0x1, s5  }
.LBB1_4:
0xe: {  	s16 =	sshll.u32 s13, $0x3;
	s17 =	sand.u32 $0x78, s13  }
0xf: {  	s30 =	sand.u32 $0x1F800, s13;
	s12 =	sshll.u32 s12, $0x11;
	s16 =	sand.u32 $0x3C00, s16  }
0x10: {  	[tilespmem:s15+$0x810 ss:$0x81] =	vst.msk $0xffff, v2;
	s31 =	sand.u32 $0x7, s13;
	s16 =	sor.u32 s17, s16;
	s17 =	sadd.s32 s3, s30  }
0x11: {  	[tilespmem:s15+$0x1020 ss:$0x81] =	vst.msk $0xffff, v0;
	s13 =	sshll.u32 s31, $0x12;
	s12 =	sadd.s32 s12, s17;
	s16 =	sshrl.u32 s16, $0x3  }
0x12: {  	[tilespmem:s15+$0x0 ss:$0x81] =	vst.msk $0xffff, v1;
	s13 =	sor.u32 $0x400, s13;
	s12 =	sadd.s32 s16, s12  }
0x13: {  	[hbm4b:s12+s13] =	stream.strided.scatter [tilespmem:s14], [sflag:$0x2], $0x2000, s8, s13, $0x20;
	[tilespmem:$0x8080] =	vst v63  }
.LBB1_5:
0x14: {  	s14 =	sadd.s32 $0x1, s9  }
0x15: {  	s12 =	sadd.s32 $0x1000, s10;
	s16 =	smov.u32 s10;
	p2 =	sgt.s32 s14, $0x31  }
0x16: {  	s16 =	smov.u32 @p2 s12  }
0x17: {  	s14 =	simm.s32 @p2 $0x0;
	p2 =	sgt.s32 s16, $0x3FFF  }
0x18: {  	s16 =	smov.u32 @p2 s2;
	p2 =	sne.s32 s11, s7  }
.Ltmp1:
0x19: {  	p1 =	slt.u32 s11, $0x2;
	(pc) =	sbr.rel @!p2 .LBB1_6-.Ltmp1, $4  }
0x1a: {  	s15 =	simm.s32 @!p1 $0x2  }
0x1b: {  	s13 =	smov.u32 s10;
	p0 =	por !p0, !p0;
	_ =	swait.ge @!p1 [sflag:s15], $0x2000  }
0x1c: {  	s12 =	smov.u32 s9;
	[sflag:s15] =	ssyncset.done @!p1 $0x0;
	s9 =	smov.u32 s14  }
0x1d: {  	s11 =	sadd.s32 $0x1, s11;
	[sflag:s15] =	ssyncadd.s32 @!p1 $0xFFFFE000;
	s10 =	smov.u32 s16  }
.LBB1_1:
0x1e: {  	p1 =	sge.u32 s11, s5  }
0x1f: {  	s14 =	sand.u32 @!p1 $0x1FFFFFF, s9  }
0x20: {  	s15 =	smulhi.u32 @!p1 $0x4924925, s14;
	_ =	sdelay $0x1  }
0x21: {  	s15 =	smul.u32 @!p1 $0x38, s15  }
0x22: {  	s16 =	sxor.u32 @!p1 $0xFFFFFFFF, s11;
	s17 =	smul.u32 @!p1 $0x380, s10  }
0x23: {  	s31 =	sadd.s32 $0xFFFFFFFF, s11;
	s16 =	sshll.u32 @!p1 s16, $0xD;
	s14 =	ssub.s32 @!p1 s14, s15  }
0x24: {  	s15 =	sand.u32 @!p1 $0x2000, s16;
	s16 =	sadd.s32 @!p1 s6, s17;
	s14 =	sshll.u32 @!p1 s14, $0x4  }
0x25: {  	s17 =	simm.s32 @!p1 $0x1C00;
	s14 =	sadd.s32 @!p1 s14, s16;
	s16 =	simm.s32 @!p1 $0x40  }
0x26: {  	[tilespmem:s15], [sflag:$0x1] =	stream.strided.gather @!p1 [hbm4b:s14+s16], $0x2000, s17, s16, $0x38;
	[tilespmem:$0x8080] =	vst v63  }
0x27: {  	p1 =	sge.u32 s31, s5  }
.Ltmp2:
0x28: {  	_ = 	snop;
	(pc) =	sbr.rel @p1 .LBB1_5-.Ltmp2, $1  }
0x29: {  	_ =	sdelay $0x3  }
0x2a: {  	s14 =	simm.s32 $0x1  }
0x2b: {  	_ =	swait.ge [sflag:s4], $0x2000;
	s14 =	simm.s32 @!p0 $0x0  }
0x2c: {  	[sflag:s4] =	ssyncset.done $0x0;
	s15 =	sshll.u32 s14, $0xD  }
0x2d: {  	[sflag:s4] =	ssyncadd.s32 $0xFFFFE000;
	s18 =	sor.u32 $0x20, s15  }
0x2e: {  	s14 =	smul.u32 $0x8100, s14;
	v3 =	vld [tilespmem:s18+$0x10]  }
0x2f: {  	s30 =	sand.u32 $0x1, s11;
	v2 =	vld [tilespmem:s18+$0xFFFFFFF0]  }
0x30: {  	s15 =	smul.u32 $0x8100, s30;
	s14 =	sshrl.u32 s14, $0x2;
	v0 =	vld [tilespmem:s18+$0x0]  }
0x31: {  	v1 =	vld [tilespmem:s18+$0xFFFFFFE0];
	s16 =	sor.u32 $0x4000, s14  }
0x32: {  	s31 =	sshrl.u32 s15, $0x2;
	s15 =	sadd.s32 $0x0, s16  }
0x33: {  	s17 =	simm.s32 $0x4;
	s18 =	sadd.s32 $0x40, s18;
	s14 =	sor.u32 $0x4000, s31;
	[tilespmem:s15+$0x1830 ss:$0x81] =	vst.msk $0xffff, v3  }
.LBB1_3:
0x34: {  	v3 =	vld [tilespmem:s18+$0x10];
	p1 =	sne.s32 s17, $0x1FC;
	[tilespmem:s15+$0x810 ss:$0x81] =	vst.msk $0xffff, v2;
	s19 =	smov.u32 s17;
	s17 =	sadd.s32 $0x4, s17  }
.Ltmp3:
0x35: {  	v2 =	vld [tilespmem:s18+$0xFFFFFFF0];
	[tilespmem:s15+$0x1020 ss:$0x81] =	vst.msk $0xffff, v0;
	(pc) =	sbr.rel @p1 .LBB1_3-.Ltmp3, $4  }
0x36: {  	v0 =	vld [tilespmem:s18+$0x0];
	[tilespmem:s15+$0x0 ss:$0x81] =	vst.msk $0xffff, v1  }
0x37: {  	s15 =	sshra.s32 s19, $0x2;
	v1 =	vld [tilespmem:s18+$0xFFFFFFE0]  }
0x38: {  	s15 =	sadd.s32 s15, s16  }
0x39: {  	s18 =	sadd.s32 $0x40, s18;
	[tilespmem:s15+$0x1830 ss:$0x81] =	vst.msk $0xffff, v3  }
.Ltmp4:
0x3a: {  	_ = 	snop;
	(pc) =	sbr.rel .LBB1_4-.Ltmp4, $1  }
0x3b: {  	_ =	sdelay $0x3  }
.LBB1_6:
0x3c: {  	_ =	sfence.sel $0x180000  }
0x3d: {  	s2 =	simm.s32 $0x1;
	[bflag:$0x0] =	sbarrier.arrive $0xFFFF  }
0x3e: {  	s31 =	simm.s32 $0x2;
	[sflag:s2] =	ssyncpa.u1 $0x1  }
0x3f: {  	[sflag:s31] =	ssyncpa.u1 $0x1  }
0x40: {  	p0 =	sne.s32 s0, $0x0;
	_ =	strace $0x9000004A  }
0x41: {  	s0 =	sadd.s32 @!p0 $0x100000, s1;
	[bflag:$0x2] =	sbarrier.arrive $0xFFFF  }
0x42: {  	[sflag:s0] =	ssyncadd.tile.s32 @!p0 $0x1;
	_ =	shalt  }
.Lfunc_end1:
_tile_overlayer_lowered:
.L_overlay_start_2:
0x43: {  	(tag) =	ssettag $0x2  }
0x44: {  	s0 =	rddreg [dreg:$0x0];
	s2 =	stileid.u32  }
0x45: {  	s1 =	rddreg [dreg:$0x1];
	p0 =	sne.s32 s2, $0x0  }
0x46: {  	s3 =	rddreg [dreg:$0x2];
	[bflag:$0x3] =	sbarrier.arrive $0xFFFF;
	s2 =	simm.s32 @!p0 $0x1C01  }
0x47: {  	[timem:s3], [sflag:s2] =	dma.local @!p0 [hbm:s0], s1  }
0x48: {  	s0 =	simm.s32 @!p0 $0x1  }
0x49: {  	_ =	swait.ge @!p0 [sflag:s0], s1  }
0x4a: {  	s1 =	ssub.s32 @!p0 $0x0, s1;
	[sflag:s0] =	ssyncset.done @!p0 $0x0  }
0x4b: {  	[sflag:s0] =	ssyncadd.s32 @!p0 s1  }
0x4c: {  	[bflag:$0x3] =	sbarrier.arrive $0xFFFF  }
0x4d: {  	_ =	shalt  }

</sc_bundles>
